<compile_context>
chip_gen: v7x
topology: tpu7x:2x2x1
jax: 0.10.2.dev20260603
libtpu: 0.0.44.dev20260713+nightly
codegen_flags: <defaults>
</compile_context>

<pallas_src>
import functools

import jax
import jax.numpy as jnp
from jax import lax
from jax.experimental import pallas as pl
from jax.experimental.pallas import tpu as pltpu
from jax.experimental.pallas import tpu_sc as plsc

B = 16384
D = 16
NC, NS = 2, 16
NW = NC * NS
BPW = B // NW
CHUNK = 128
NCHUNK = BPW // CHUNK


def _nrsqrt(x):
    i = plsc.bitcast(x, jnp.int32)
    y = plsc.bitcast(jnp.int32(0x5F3759DF) - (i >> 1), jnp.float32)
    for _ in range(3):
        y = y * (1.5 - 0.5 * x * y * y)
    return y


def _fb_body(uidx_hbm, midx_hbm, uemb_hbm, memb_hbm, ubias_hbm, mbias_hbm,
             out_hbm, uidx_v, midx_v, urows_v, mrows_v, ub_v, mb_v, out_v,
             sem):
    wid = lax.axis_index("s") * NC + lax.axis_index("c")
    base = wid * BPW

    for c in range(NCHUNK):
        pltpu.sync_copy(uidx_hbm.at[pl.ds(base + c * CHUNK, CHUNK)],
                        uidx_v.at[c])
        pltpu.sync_copy(midx_hbm.at[pl.ds(base + c * CHUNK, CHUNK)],
                        midx_v.at[c])

    copies = []
    for c in range(NCHUNK):
        sl = pl.ds(c * CHUNK, CHUNK)
        copies.append(pltpu.async_copy(uemb_hbm.at[uidx_v.at[c]],
                                       urows_v.at[sl], sem))
        copies.append(pltpu.async_copy(memb_hbm.at[midx_v.at[c]],
                                       mrows_v.at[sl], sem))
        copies.append(pltpu.async_copy(ubias_hbm.at[uidx_v.at[c]],
                                       ub_v.at[sl], sem))
        copies.append(pltpu.async_copy(mbias_hbm.at[midx_v.at[c]],
                                       mb_v.at[sl], sem))
    for cp in copies:
        cp.wait()

    lane = lax.iota(jnp.int32, 16)

    def tile(t, carry):
        rows = t * 16 + lane
        dot = jnp.zeros((16,), jnp.float32)
        uu = jnp.zeros((16,), jnp.float32)
        mm = jnp.zeros((16,), jnp.float32)
        for j in range(D):
            cols = jnp.full((16,), j, jnp.int32)
            uc = plsc.load_gather(urows_v, [rows, cols])
            mc = plsc.load_gather(mrows_v, [rows, cols])
            dot = dot + uc * mc
            uu = uu + uc * uc
            mm = mm + mc * mc
        uu = jnp.maximum(uu, 1e-30)
        mm = jnp.maximum(mm, 1e-30)
        nu = jnp.maximum(uu * _nrsqrt(uu), 1e-8)
        nm = jnp.maximum(mm * _nrsqrt(mm), 1e-8)
        sim = dot / (nu * nm) * 2.5 + 2.75
        sl = pl.ds(t * 16, 16)
        out_v[sl] = sim + ub_v[sl] + mb_v[sl]
        return carry

    lax.fori_loop(0, BPW // 16, tile, 0)

    pltpu.sync_copy(out_v, out_hbm.at[pl.ds(base, BPW)])


_fb_kernel = functools.partial(
    pl.kernel,
    out_type=jax.ShapeDtypeStruct((B,), jnp.float32),
    mesh=plsc.VectorSubcoreMesh(core_axis_name="c", subcore_axis_name="s"),
    compiler_params=pltpu.CompilerParams(needs_layout_passes=False,
                                         use_tc_tiling_on_sc=False),
    scratch_types=[
        pltpu.VMEM((NCHUNK, CHUNK), jnp.int32),
        pltpu.VMEM((NCHUNK, CHUNK), jnp.int32),
        pltpu.VMEM((BPW, D), jnp.float32),
        pltpu.VMEM((BPW, D), jnp.float32),
        pltpu.VMEM((BPW,), jnp.float32),
        pltpu.VMEM((BPW,), jnp.float32),
        pltpu.VMEM((BPW,), jnp.float32),
        pltpu.SemaphoreType.DMA,
    ],
)(_fb_body)


def kernel(user_idx, movie_idx, user_embeds, movie_embeds, user_biases,
           movie_biases):
    return _fb_kernel(user_idx.astype(jnp.int32),
                      movie_idx.astype(jnp.int32),
                      user_embeds, movie_embeds,
                      jnp.squeeze(user_biases, -1),
                      jnp.squeeze(movie_biases, -1))

# --- scband reference (transcript-rebuilt; emitter-appended) ---
"""Pipeline reference for scband-factorization-bias-1194000908961 (READ-ONLY COPY).

The authoritative reference and input builder live on the scoring server;
editing this copy changes nothing except your own understanding.
"""

import jax, jax.numpy as jnp
import numpy as np

NUM_USERS = 1000000
NUM_MOVIES = 100000
EMBED_DIM = 16
BATCH = 16384


def setup_inputs(seed: int = 0) -> dict:
    key = jax.random.key(seed)
    k1, k2, k3, k4, k5, k6 = jax.random.split(key, 6)
    user_idx = jax.random.randint(k1, (BATCH,), 0, NUM_USERS, dtype=jnp.int64 if jax.config.jax_enable_x64 else jnp.int32)
    movie_idx = jax.random.randint(k2, (BATCH,), 0, NUM_MOVIES, dtype=jnp.int64 if jax.config.jax_enable_x64 else jnp.int32)
    user_embeds = jax.random.normal(k3, (NUM_USERS, EMBED_DIM), dtype=jnp.float32)
    movie_embeds = jax.random.normal(k4, (NUM_MOVIES, EMBED_DIM), dtype=jnp.float32)
    user_biases = jax.random.normal(k5, (NUM_USERS, 1), dtype=jnp.float32)
    movie_biases = jax.random.normal(k6, (NUM_MOVIES, 1), dtype=jnp.float32)
    return {
        "user_idx": user_idx,
        "movie_idx": movie_idx,
        "user_embeds": user_embeds,
        "movie_embeds": movie_embeds,
        "user_biases": user_biases,
        "movie_biases": movie_biases,
    }


def _cosine_similarity(a, b, eps=1e-8):
    # matches torch.nn.functional.cosine_similarity along dim=1
    a_norm = jnp.maximum(jnp.linalg.norm(a, axis=1), eps)
    b_norm = jnp.maximum(jnp.linalg.norm(b, axis=1), eps)
    return jnp.sum(a * b, axis=1) / (a_norm * b_norm)


def reference(user_idx, movie_idx, user_embeds, movie_embeds, user_biases, movie_biases):
    user = jnp.take(user_embeds, user_idx, axis=0)
    movie = jnp.take(movie_embeds, movie_idx, axis=0)
    similarity = _cosine_similarity(user, movie)
    similarity = similarity * 2.5 + 2.75
    movie_bias = jnp.take(movie_biases, movie_idx, axis=0)
    user_bias = jnp.take(user_biases, user_idx, axis=0)
    prediction = similarity + jnp.squeeze(user_bias, axis=-1) + jnp.squeeze(movie_bias, axis=-1)
    return prediction

if __name__ == "__main__":
    import jax
    _d = setup_inputs()
    print(jax.jit(kernel)(*tuple(_d.values())))

</pallas_src>

<mosaic_0001>
#map = affine_map<(d0, d1) -> (0)>
#map1 = affine_map<(d0, d1) -> (0, 0)>
module attributes {stable_mosaic.version = 14 : i64} {
  func.func @_fb_body(%arg0: i32, %arg1: i32, %arg2: memref<16384xi32, #tpu.memory_space<hbm>>, %arg3: memref<16384xi32, #tpu.memory_space<hbm>>, %arg4: memref<1000000x16xf32, #tpu.memory_space<hbm>>, %arg5: memref<100000x16xf32, #tpu.memory_space<hbm>>, %arg6: memref<1000000xf32, #tpu.memory_space<hbm>>, %arg7: memref<100000xf32, #tpu.memory_space<hbm>>, %arg8: memref<16384xf32, #tpu.memory_space<hbm>>, %arg9: memref<4x128xi32, #tpu.memory_space<vmem>>, %arg10: memref<4x128xi32, #tpu.memory_space<vmem>>, %arg11: memref<512x16xf32, #tpu.memory_space<vmem>>, %arg12: memref<512x16xf32, #tpu.memory_space<vmem>>, %arg13: memref<512xf32, #tpu.memory_space<vmem>>, %arg14: memref<512xf32, #tpu.memory_space<vmem>>, %arg15: memref<512xf32, #tpu.memory_space<vmem>>, %arg16: memref<!tpu.dma_semaphore, #tpu.memory_space<semaphore_mem>>) attributes {dimension_semantics = [#tpu.dimension_semantics<core_parallel>, #tpu.dimension_semantics<subcore_parallel>], iteration_bounds = array<i64: 2, 16>, scalar_prefetch = 0 : i64, scratch_operands = 8 : i64, tpu.core_type = #tpu.core_type<sc_vector_subcore>, window_params = [{transform_indices = #map}, {transform_indices = #map}, {transform_indices = #map1}, {transform_indices = #map1}, {transform_indices = #map}, {transform_indices = #map}, {transform_indices = #map}]} {
    %mul3A = arith.constant 2 : i32
    %mul3A_0 = arith.muli %arg1, %mul3A : i32
    %add3A = arith.addi %mul3A_0, %arg0 : i32
    %mul3A_1 = arith.constant 512 : i32
    %mul3A_2 = arith.muli %add3A, %mul3A_1 : i32
    %add3A_3 = arith.constant 0 : i32
    %add3A_4 = arith.addi %mul3A_2, %add3A_3 : i32
    %run_scoped3A = arith.constant 0 : i32
    "tpu.region"() ({
      %run_scoped3A_317 = tpu.sem_alloc : memref<!tpu.dma_semaphore, #tpu.memory_space<semaphore_mem>>
      %dma_start3A_318 = arith.constant 0 : i32
      %dma_start3A_319 = tpu.memref_slice %arg9[%run_scoped3A, %dma_start3A_318] : memref<4x128xi32, #tpu.memory_space<vmem>> -> memref<1x128xi32, #tpu.memory_space<vmem>>
      %dma_start3A_320 = tpu.memref_squeeze %dma_start3A_319 : memref<1x128xi32, #tpu.memory_space<vmem>> -> memref<128xi32, #tpu.memory_space<vmem>>
      %dma_start3A_321 = tpu.memref_slice %arg2[%add3A_4] : memref<16384xi32, #tpu.memory_space<hbm>> -> memref<128xi32, #tpu.memory_space<hbm>>
      %dma_start3A_322 = arith.constant 0 : i32
      %dma_start3A_323 = tpu.memref_slice %arg9[%run_scoped3A, %dma_start3A_322] : memref<4x128xi32, #tpu.memory_space<vmem>> -> memref<1x128xi32, #tpu.memory_space<vmem>>
      %dma_start3A_324 = tpu.memref_squeeze %dma_start3A_323 : memref<1x128xi32, #tpu.memory_space<vmem>> -> memref<128xi32, #tpu.memory_space<vmem>>
      %dma_start3A_325 = tpu.memref_slice %arg2[%add3A_4] : memref<16384xi32, #tpu.memory_space<hbm>> -> memref<128xi32, #tpu.memory_space<hbm>>
      tpu.enqueue_dma source(%dma_start3A_325 : memref<128xi32, #tpu.memory_space<hbm>>) target(%dma_start3A_324 : memref<128xi32, #tpu.memory_space<vmem>>) target_semaphore(%run_scoped3A_317 : memref<!tpu.dma_semaphore, #tpu.memory_space<semaphore_mem>>)
      %dma_wait3A_326 = arith.constant 0 : i32
      %dma_wait3A_327 = tpu.memref_slice %arg9[%run_scoped3A, %dma_wait3A_326] : memref<4x128xi32, #tpu.memory_space<vmem>> -> memref<1x128xi32, #tpu.memory_space<vmem>>
      %dma_wait3A_328 = tpu.memref_squeeze %dma_wait3A_327 : memref<1x128xi32, #tpu.memory_space<vmem>> -> memref<128xi32, #tpu.memory_space<vmem>>
      %dma_wait3A_329 = tpu.memref_slice %arg2[%add3A_4] : memref<16384xi32, #tpu.memory_space<hbm>> -> memref<128xi32, #tpu.memory_space<hbm>>
      %dma_wait3A_330 = arith.constant 0 : i32
      %dma_wait3A_331 = tpu.memref_slice %arg9[%run_scoped3A, %dma_wait3A_330] : memref<4x128xi32, #tpu.memory_space<vmem>> -> memref<1x128xi32, #tpu.memory_space<vmem>>
      %dma_wait3A_332 = tpu.memref_squeeze %dma_wait3A_331 : memref<1x128xi32, #tpu.memory_space<vmem>> -> memref<128xi32, #tpu.memory_space<vmem>>
      %dma_wait3A_333 = tpu.memref_slice %arg2[%add3A_4] : memref<16384xi32, #tpu.memory_space<hbm>> -> memref<128xi32, #tpu.memory_space<hbm>>
      tpu.wait_dma2 semaphore(%run_scoped3A_317 : memref<!tpu.dma_semaphore, #tpu.memory_space<semaphore_mem>>) src(%dma_wait3A_333 : memref<128xi32, #tpu.memory_space<hbm>>) dst(%dma_wait3A_332 : memref<128xi32, #tpu.memory_space<vmem>>)
      tpu.yield
    }) : () -> ()
    %add3A_5 = arith.constant 0 : i32
    %add3A_6 = arith.addi %mul3A_2, %add3A_5 : i32
    %run_scoped3A_7 = arith.constant 0 : i32
    "tpu.region"() ({
      %run_scoped3A_317 = tpu.sem_alloc : memref<!tpu.dma_semaphore, #tpu.memory_space<semaphore_mem>>
      %dma_start3A_318 = arith.constant 0 : i32
      %dma_start3A_319 = tpu.memref_slice %arg10[%run_scoped3A_7, %dma_start3A_318] : memref<4x128xi32, #tpu.memory_space<vmem>> -> memref<1x128xi32, #tpu.memory_space<vmem>>
      %dma_start3A_320 = tpu.memref_squeeze %dma_start3A_319 : memref<1x128xi32, #tpu.memory_space<vmem>> -> memref<128xi32, #tpu.memory_space<vmem>>
      %dma_start3A_321 = tpu.memref_slice %arg3[%add3A_6] : memref<16384xi32, #tpu.memory_space<hbm>> -> memref<128xi32, #tpu.memory_space<hbm>>
      %dma_start3A_322 = arith.constant 0 : i32
      %dma_start3A_323 = tpu.memref_slice %arg10[%run_scoped3A_7, %dma_start3A_322] : memref<4x128xi32, #tpu.memory_space<vmem>> -> memref<1x128xi32, #tpu.memory_space<vmem>>
      %dma_start3A_324 = tpu.memref_squeeze %dma_start3A_323 : memref<1x128xi32, #tpu.memory_space<vmem>> -> memref<128xi32, #tpu.memory_space<vmem>>
      %dma_start3A_325 = tpu.memref_slice %arg3[%add3A_6] : memref<16384xi32, #tpu.memory_space<hbm>> -> memref<128xi32, #tpu.memory_space<hbm>>
      tpu.enqueue_dma source(%dma_start3A_325 : memref<128xi32, #tpu.memory_space<hbm>>) target(%dma_start3A_324 : memref<128xi32, #tpu.memory_space<vmem>>) target_semaphore(%run_scoped3A_317 : memref<!tpu.dma_semaphore, #tpu.memory_space<semaphore_mem>>)
      %dma_wait3A_326 = arith.constant 0 : i32
      %dma_wait3A_327 = tpu.memref_slice %arg10[%run_scoped3A_7, %dma_wait3A_326] : memref<4x128xi32, #tpu.memory_space<vmem>> -> memref<1x128xi32, #tpu.memory_space<vmem>>
      %dma_wait3A_328 = tpu.memref_squeeze %dma_wait3A_327 : memref<1x128xi32, #tpu.memory_space<vmem>> -> memref<128xi32, #tpu.memory_space<vmem>>
      %dma_wait3A_329 = tpu.memref_slice %arg3[%add3A_6] : memref<16384xi32, #tpu.memory_space<hbm>> -> memref<128xi32, #tpu.memory_space<hbm>>
      %dma_wait3A_330 = arith.constant 0 : i32
      %dma_wait3A_331 = tpu.memref_slice %arg10[%run_scoped3A_7, %dma_wait3A_330] : memref<4x128xi32, #tpu.memory_space<vmem>> -> memref<1x128xi32, #tpu.memory_space<vmem>>
      %dma_wait3A_332 = tpu.memref_squeeze %dma_wait3A_331 : memref<1x128xi32, #tpu.memory_space<vmem>> -> memref<128xi32, #tpu.memory_space<vmem>>
      %dma_wait3A_333 = tpu.memref_slice %arg3[%add3A_6] : memref<16384xi32, #tpu.memory_space<hbm>> -> memref<128xi32, #tpu.memory_space<hbm>>
      tpu.wait_dma2 semaphore(%run_scoped3A_317 : memref<!tpu.dma_semaphore, #tpu.memory_space<semaphore_mem>>) src(%dma_wait3A_333 : memref<128xi32, #tpu.memory_space<hbm>>) dst(%dma_wait3A_332 : memref<128xi32, #tpu.memory_space<vmem>>)
      tpu.yield
    }) : () -> ()
    %add3A_8 = arith.constant 128 : i32
    %add3A_9 = arith.addi %mul3A_2, %add3A_8 : i32
    %run_scoped3A_10 = arith.constant 1 : i32
    "tpu.region"() ({
      %run_scoped3A_317 = tpu.sem_alloc : memref<!tpu.dma_semaphore, #tpu.memory_space<semaphore_mem>>
      %dma_start3A_318 = arith.constant 0 : i32
      %dma_start3A_319 = tpu.memref_slice %arg9[%run_scoped3A_10, %dma_start3A_318] : memref<4x128xi32, #tpu.memory_space<vmem>> -> memref<1x128xi32, #tpu.memory_space<vmem>>
      %dma_start3A_320 = tpu.memref_squeeze %dma_start3A_319 : memref<1x128xi32, #tpu.memory_space<vmem>> -> memref<128xi32, #tpu.memory_space<vmem>>
      %dma_start3A_321 = tpu.memref_slice %arg2[%add3A_9] : memref<16384xi32, #tpu.memory_space<hbm>> -> memref<128xi32, #tpu.memory_space<hbm>>
      %dma_start3A_322 = arith.constant 0 : i32
      %dma_start3A_323 = tpu.memref_slice %arg9[%run_scoped3A_10, %dma_start3A_322] : memref<4x128xi32, #tpu.memory_space<vmem>> -> memref<1x128xi32, #tpu.memory_space<vmem>>
      %dma_start3A_324 = tpu.memref_squeeze %dma_start3A_323 : memref<1x128xi32, #tpu.memory_space<vmem>> -> memref<128xi32, #tpu.memory_space<vmem>>
      %dma_start3A_325 = tpu.memref_slice %arg2[%add3A_9] : memref<16384xi32, #tpu.memory_space<hbm>> -> memref<128xi32, #tpu.memory_space<hbm>>
      tpu.enqueue_dma source(%dma_start3A_325 : memref<128xi32, #tpu.memory_space<hbm>>) target(%dma_start3A_324 : memref<128xi32, #tpu.memory_space<vmem>>) target_semaphore(%run_scoped3A_317 : memref<!tpu.dma_semaphore, #tpu.memory_space<semaphore_mem>>)
      %dma_wait3A_326 = arith.constant 0 : i32
      %dma_wait3A_327 = tpu.memref_slice %arg9[%run_scoped3A_10, %dma_wait3A_326] : memref<4x128xi32, #tpu.memory_space<vmem>> -> memref<1x128xi32, #tpu.memory_space<vmem>>
      %dma_wait3A_328 = tpu.memref_squeeze %dma_wait3A_327 : memref<1x128xi32, #tpu.memory_space<vmem>> -> memref<128xi32, #tpu.memory_space<vmem>>
      %dma_wait3A_329 = tpu.memref_slice %arg2[%add3A_9] : memref<16384xi32, #tpu.memory_space<hbm>> -> memref<128xi32, #tpu.memory_space<hbm>>
      %dma_wait3A_330 = arith.constant 0 : i32
      %dma_wait3A_331 = tpu.memref_slice %arg9[%run_scoped3A_10, %dma_wait3A_330] : memref<4x128xi32, #tpu.memory_space<vmem>> -> memref<1x128xi32, #tpu.memory_space<vmem>>
      %dma_wait3A_332 = tpu.memref_squeeze %dma_wait3A_331 : memref<1x128xi32, #tpu.memory_space<vmem>> -> memref<128xi32, #tpu.memory_space<vmem>>
      %dma_wait3A_333 = tpu.memref_slice %arg2[%add3A_9] : memref<16384xi32, #tpu.memory_space<hbm>> -> memref<128xi32, #tpu.memory_space<hbm>>
      tpu.wait_dma2 semaphore(%run_scoped3A_317 : memref<!tpu.dma_semaphore, #tpu.memory_space<semaphore_mem>>) src(%dma_wait3A_333 : memref<128xi32, #tpu.memory_space<hbm>>) dst(%dma_wait3A_332 : memref<128xi32, #tpu.memory_space<vmem>>)
      tpu.yield
    }) : () -> ()
    %add3A_11 = arith.constant 128 : i32
    %add3A_12 = arith.addi %mul3A_2, %add3A_11 : i32
    %run_scoped3A_13 = arith.constant 1 : i32
    "tpu.region"() ({
      %run_scoped3A_317 = tpu.sem_alloc : memref<!tpu.dma_semaphore, #tpu.memory_space<semaphore_mem>>
      %dma_start3A_318 = arith.constant 0 : i32
      %dma_start3A_319 = tpu.memref_slice %arg10[%run_scoped3A_13, %dma_start3A_318] : memref<4x128xi32, #tpu.memory_space<vmem>> -> memref<1x128xi32, #tpu.memory_space<vmem>>
      %dma_start3A_320 = tpu.memref_squeeze %dma_start3A_319 : memref<1x128xi32, #tpu.memory_space<vmem>> -> memref<128xi32, #tpu.memory_space<vmem>>
      %dma_start3A_321 = tpu.memref_slice %arg3[%add3A_12] : memref<16384xi32, #tpu.memory_space<hbm>> -> memref<128xi32, #tpu.memory_space<hbm>>
      %dma_start3A_322 = arith.constant 0 : i32
      %dma_start3A_323 = tpu.memref_slice %arg10[%run_scoped3A_13, %dma_start3A_322] : memref<4x128xi32, #tpu.memory_space<vmem>> -> memref<1x128xi32, #tpu.memory_space<vmem>>
      %dma_start3A_324 = tpu.memref_squeeze %dma_start3A_323 : memref<1x128xi32, #tpu.memory_space<vmem>> -> memref<128xi32, #tpu.memory_space<vmem>>
      %dma_start3A_325 = tpu.memref_slice %arg3[%add3A_12] : memref<16384xi32, #tpu.memory_space<hbm>> -> memref<128xi32, #tpu.memory_space<hbm>>
      tpu.enqueue_dma source(%dma_start3A_325 : memref<128xi32, #tpu.memory_space<hbm>>) target(%dma_start3A_324 : memref<128xi32, #tpu.memory_space<vmem>>) target_semaphore(%run_scoped3A_317 : memref<!tpu.dma_semaphore, #tpu.memory_space<semaphore_mem>>)
      %dma_wait3A_326 = arith.constant 0 : i32
      %dma_wait3A_327 = tpu.memref_slice %arg10[%run_scoped3A_13, %dma_wait3A_326] : memref<4x128xi32, #tpu.memory_space<vmem>> -> memref<1x128xi32, #tpu.memory_space<vmem>>
      %dma_wait3A_328 = tpu.memref_squeeze %dma_wait3A_327 : memref<1x128xi32, #tpu.memory_space<vmem>> -> memref<128xi32, #tpu.memory_space<vmem>>
      %dma_wait3A_329 = tpu.memref_slice %arg3[%add3A_12] : memref<16384xi32, #tpu.memory_space<hbm>> -> memref<128xi32, #tpu.memory_space<hbm>>
      %dma_wait3A_330 = arith.constant 0 : i32
      %dma_wait3A_331 = tpu.memref_slice %arg10[%run_scoped3A_13, %dma_wait3A_330] : memref<4x128xi32, #tpu.memory_space<vmem>> -> memref<1x128xi32, #tpu.memory_space<vmem>>
      %dma_wait3A_332 = tpu.memref_squeeze %dma_wait3A_331 : memref<1x128xi32, #tpu.memory_space<vmem>> -> memref<128xi32, #tpu.memory_space<vmem>>
      %dma_wait3A_333 = tpu.memref_slice %arg3[%add3A_12] : memref<16384xi32, #tpu.memory_space<hbm>> -> memref<128xi32, #tpu.memory_space<hbm>>
      tpu.wait_dma2 semaphore(%run_scoped3A_317 : memref<!tpu.dma_semaphore, #tpu.memory_space<semaphore_mem>>) src(%dma_wait3A_333 : memref<128xi32, #tpu.memory_space<hbm>>) dst(%dma_wait3A_332 : memref<128xi32, #tpu.memory_space<vmem>>)
      tpu.yield
    }) : () -> ()
    %add3A_14 = arith.constant 256 : i32
    %add3A_15 = arith.addi %mul3A_2, %add3A_14 : i32
    %run_scoped3A_16 = arith.constant 2 : i32
    "tpu.region"() ({
      %run_scoped3A_317 = tpu.sem_alloc : memref<!tpu.dma_semaphore, #tpu.memory_space<semaphore_mem>>
      %dma_start3A_318 = arith.constant 0 : i32
      %dma_start3A_319 = tpu.memref_slice %arg9[%run_scoped3A_16, %dma_start3A_318] : memref<4x128xi32, #tpu.memory_space<vmem>> -> memref<1x128xi32, #tpu.memory_space<vmem>>
      %dma_start3A_320 = tpu.memref_squeeze %dma_start3A_319 : memref<1x128xi32, #tpu.memory_space<vmem>> -> memref<128xi32, #tpu.memory_space<vmem>>
      %dma_start3A_321 = tpu.memref_slice %arg2[%add3A_15] : memref<16384xi32, #tpu.memory_space<hbm>> -> memref<128xi32, #tpu.memory_space<hbm>>
      %dma_start3A_322 = arith.constant 0 : i32
      %dma_start3A_323 = tpu.memref_slice %arg9[%run_scoped3A_16, %dma_start3A_322] : memref<4x128xi32, #tpu.memory_space<vmem>> -> memref<1x128xi32, #tpu.memory_space<vmem>>
      %dma_start3A_324 = tpu.memref_squeeze %dma_start3A_323 : memref<1x128xi32, #tpu.memory_space<vmem>> -> memref<128xi32, #tpu.memory_space<vmem>>
      %dma_start3A_325 = tpu.memref_slice %arg2[%add3A_15] : memref<16384xi32, #tpu.memory_space<hbm>> -> memref<128xi32, #tpu.memory_space<hbm>>
      tpu.enqueue_dma source(%dma_start3A_325 : memref<128xi32, #tpu.memory_space<hbm>>) target(%dma_start3A_324 : memref<128xi32, #tpu.memory_space<vmem>>) target_semaphore(%run_scoped3A_317 : memref<!tpu.dma_semaphore, #tpu.memory_space<semaphore_mem>>)
      %dma_wait3A_326 = arith.constant 0 : i32
      %dma_wait3A_327 = tpu.memref_slice %arg9[%run_scoped3A_16, %dma_wait3A_326] : memref<4x128xi32, #tpu.memory_space<vmem>> -> memref<1x128xi32, #tpu.memory_space<vmem>>
      %dma_wait3A_328 = tpu.memref_squeeze %dma_wait3A_327 : memref<1x128xi32, #tpu.memory_space<vmem>> -> memref<128xi32, #tpu.memory_space<vmem>>
      %dma_wait3A_329 = tpu.memref_slice %arg2[%add3A_15] : memref<16384xi32, #tpu.memory_space<hbm>> -> memref<128xi32, #tpu.memory_space<hbm>>
      %dma_wait3A_330 = arith.constant 0 : i32
      %dma_wait3A_331 = tpu.memref_slice %arg9[%run_scoped3A_16, %dma_wait3A_330] : memref<4x128xi32, #tpu.memory_space<vmem>> -> memref<1x128xi32, #tpu.memory_space<vmem>>
      %dma_wait3A_332 = tpu.memref_squeeze %dma_wait3A_331 : memref<1x128xi32, #tpu.memory_space<vmem>> -> memref<128xi32, #tpu.memory_space<vmem>>
      %dma_wait3A_333 = tpu.memref_slice %arg2[%add3A_15] : memref<16384xi32, #tpu.memory_space<hbm>> -> memref<128xi32, #tpu.memory_space<hbm>>
      tpu.wait_dma2 semaphore(%run_scoped3A_317 : memref<!tpu.dma_semaphore, #tpu.memory_space<semaphore_mem>>) src(%dma_wait3A_333 : memref<128xi32, #tpu.memory_space<hbm>>) dst(%dma_wait3A_332 : memref<128xi32, #tpu.memory_space<vmem>>)
      tpu.yield
    }) : () -> ()
    %add3A_17 = arith.constant 256 : i32
    %add3A_18 = arith.addi %mul3A_2, %add3A_17 : i32
    %run_scoped3A_19 = arith.constant 2 : i32
    "tpu.region"() ({
      %run_scoped3A_317 = tpu.sem_alloc : memref<!tpu.dma_semaphore, #tpu.memory_space<semaphore_mem>>
      %dma_start3A_318 = arith.constant 0 : i32
      %dma_start3A_319 = tpu.memref_slice %arg10[%run_scoped3A_19, %dma_start3A_318] : memref<4x128xi32, #tpu.memory_space<vmem>> -> memref<1x128xi32, #tpu.memory_space<vmem>>
      %dma_start3A_320 = tpu.memref_squeeze %dma_start3A_319 : memref<1x128xi32, #tpu.memory_space<vmem>> -> memref<128xi32, #tpu.memory_space<vmem>>
      %dma_start3A_321 = tpu.memref_slice %arg3[%add3A_18] : memref<16384xi32, #tpu.memory_space<hbm>> -> memref<128xi32, #tpu.memory_space<hbm>>
      %dma_start3A_322 = arith.constant 0 : i32
      %dma_start3A_323 = tpu.memref_slice %arg10[%run_scoped3A_19, %dma_start3A_322] : memref<4x128xi32, #tpu.memory_space<vmem>> -> memref<1x128xi32, #tpu.memory_space<vmem>>
      %dma_start3A_324 = tpu.memref_squeeze %dma_start3A_323 : memref<1x128xi32, #tpu.memory_space<vmem>> -> memref<128xi32, #tpu.memory_space<vmem>>
      %dma_start3A_325 = tpu.memref_slice %arg3[%add3A_18] : memref<16384xi32, #tpu.memory_space<hbm>> -> memref<128xi32, #tpu.memory_space<hbm>>
      tpu.enqueue_dma source(%dma_start3A_325 : memref<128xi32, #tpu.memory_space<hbm>>) target(%dma_start3A_324 : memref<128xi32, #tpu.memory_space<vmem>>) target_semaphore(%run_scoped3A_317 : memref<!tpu.dma_semaphore, #tpu.memory_space<semaphore_mem>>)
      %dma_wait3A_326 = arith.constant 0 : i32
      %dma_wait3A_327 = tpu.memref_slice %arg10[%run_scoped3A_19, %dma_wait3A_326] : memref<4x128xi32, #tpu.memory_space<vmem>> -> memref<1x128xi32, #tpu.memory_space<vmem>>
      %dma_wait3A_328 = tpu.memref_squeeze %dma_wait3A_327 : memref<1x128xi32, #tpu.memory_space<vmem>> -> memref<128xi32, #tpu.memory_space<vmem>>
      %dma_wait3A_329 = tpu.memref_slice %arg3[%add3A_18] : memref<16384xi32, #tpu.memory_space<hbm>> -> memref<128xi32, #tpu.memory_space<hbm>>
      %dma_wait3A_330 = arith.constant 0 : i32
      %dma_wait3A_331 = tpu.memref_slice %arg10[%run_scoped3A_19, %dma_wait3A_330] : memref<4x128xi32, #tpu.memory_space<vmem>> -> memref<1x128xi32, #tpu.memory_space<vmem>>
      %dma_wait3A_332 = tpu.memref_squeeze %dma_wait3A_331 : memref<1x128xi32, #tpu.memory_space<vmem>> -> memref<128xi32, #tpu.memory_space<vmem>>
      %dma_wait3A_333 = tpu.memref_slice %arg3[%add3A_18] : memref<16384xi32, #tpu.memory_space<hbm>> -> memref<128xi32, #tpu.memory_space<hbm>>
      tpu.wait_dma2 semaphore(%run_scoped3A_317 : memref<!tpu.dma_semaphore, #tpu.memory_space<semaphore_mem>>) src(%dma_wait3A_333 : memref<128xi32, #tpu.memory_space<hbm>>) dst(%dma_wait3A_332 : memref<128xi32, #tpu.memory_space<vmem>>)
      tpu.yield
    }) : () -> ()
    %add3A_20 = arith.constant 384 : i32
    %add3A_21 = arith.addi %mul3A_2, %add3A_20 : i32
    %run_scoped3A_22 = arith.constant 3 : i32
    "tpu.region"() ({
      %run_scoped3A_317 = tpu.sem_alloc : memref<!tpu.dma_semaphore, #tpu.memory_space<semaphore_mem>>
      %dma_start3A_318 = arith.constant 0 : i32
      %dma_start3A_319 = tpu.memref_slice %arg9[%run_scoped3A_22, %dma_start3A_318] : memref<4x128xi32, #tpu.memory_space<vmem>> -> memref<1x128xi32, #tpu.memory_space<vmem>>
      %dma_start3A_320 = tpu.memref_squeeze %dma_start3A_319 : memref<1x128xi32, #tpu.memory_space<vmem>> -> memref<128xi32, #tpu.memory_space<vmem>>
      %dma_start3A_321 = tpu.memref_slice %arg2[%add3A_21] : memref<16384xi32, #tpu.memory_space<hbm>> -> memref<128xi32, #tpu.memory_space<hbm>>
      %dma_start3A_322 = arith.constant 0 : i32
      %dma_start3A_323 = tpu.memref_slice %arg9[%run_scoped3A_22, %dma_start3A_322] : memref<4x128xi32, #tpu.memory_space<vmem>> -> memref<1x128xi32, #tpu.memory_space<vmem>>
      %dma_start3A_324 = tpu.memref_squeeze %dma_start3A_323 : memref<1x128xi32, #tpu.memory_space<vmem>> -> memref<128xi32, #tpu.memory_space<vmem>>
      %dma_start3A_325 = tpu.memref_slice %arg2[%add3A_21] : memref<16384xi32, #tpu.memory_space<hbm>> -> memref<128xi32, #tpu.memory_space<hbm>>
      tpu.enqueue_dma source(%dma_start3A_325 : memref<128xi32, #tpu.memory_space<hbm>>) target(%dma_start3A_324 : memref<128xi32, #tpu.memory_space<vmem>>) target_semaphore(%run_scoped3A_317 : memref<!tpu.dma_semaphore, #tpu.memory_space<semaphore_mem>>)
      %dma_wait3A_326 = arith.constant 0 : i32
      %dma_wait3A_327 = tpu.memref_slice %arg9[%run_scoped3A_22, %dma_wait3A_326] : memref<4x128xi32, #tpu.memory_space<vmem>> -> memref<1x128xi32, #tpu.memory_space<vmem>>
      %dma_wait3A_328 = tpu.memref_squeeze %dma_wait3A_327 : memref<1x128xi32, #tpu.memory_space<vmem>> -> memref<128xi32, #tpu.memory_space<vmem>>
      %dma_wait3A_329 = tpu.memref_slice %arg2[%add3A_21] : memref<16384xi32, #tpu.memory_space<hbm>> -> memref<128xi32, #tpu.memory_space<hbm>>
      %dma_wait3A_330 = arith.constant 0 : i32
      %dma_wait3A_331 = tpu.memref_slice %arg9[%run_scoped3A_22, %dma_wait3A_330] : memref<4x128xi32, #tpu.memory_space<vmem>> -> memref<1x128xi32, #tpu.memory_space<vmem>>
      %dma_wait3A_332 = tpu.memref_squeeze %dma_wait3A_331 : memref<1x128xi32, #tpu.memory_space<vmem>> -> memref<128xi32, #tpu.memory_space<vmem>>
      %dma_wait3A_333 = tpu.memref_slice %arg2[%add3A_21] : memref<16384xi32, #tpu.memory_space<hbm>> -> memref<128xi32, #tpu.memory_space<hbm>>
      tpu.wait_dma2 semaphore(%run_scoped3A_317 : memref<!tpu.dma_semaphore, #tpu.memory_space<semaphore_mem>>) src(%dma_wait3A_333 : memref<128xi32, #tpu.memory_space<hbm>>) dst(%dma_wait3A_332 : memref<128xi32, #tpu.memory_space<vmem>>)
      tpu.yield
    }) : () -> ()
    %add3A_23 = arith.constant 384 : i32
    %add3A_24 = arith.addi %mul3A_2, %add3A_23 : i32
    %run_scoped3A_25 = arith.constant 3 : i32
    "tpu.region"() ({
      %run_scoped3A_317 = tpu.sem_alloc : memref<!tpu.dma_semaphore, #tpu.memory_space<semaphore_mem>>
      %dma_start3A_318 = arith.constant 0 : i32
      %dma_start3A_319 = tpu.memref_slice %arg10[%run_scoped3A_25, %dma_start3A_318] : memref<4x128xi32, #tpu.memory_space<vmem>> -> memref<1x128xi32, #tpu.memory_space<vmem>>
      %dma_start3A_320 = tpu.memref_squeeze %dma_start3A_319 : memref<1x128xi32, #tpu.memory_space<vmem>> -> memref<128xi32, #tpu.memory_space<vmem>>
      %dma_start3A_321 = tpu.memref_slice %arg3[%add3A_24] : memref<16384xi32, #tpu.memory_space<hbm>> -> memref<128xi32, #tpu.memory_space<hbm>>
      %dma_start3A_322 = arith.constant 0 : i32
      %dma_start3A_323 = tpu.memref_slice %arg10[%run_scoped3A_25, %dma_start3A_322] : memref<4x128xi32, #tpu.memory_space<vmem>> -> memref<1x128xi32, #tpu.memory_space<vmem>>
      %dma_start3A_324 = tpu.memref_squeeze %dma_start3A_323 : memref<1x128xi32, #tpu.memory_space<vmem>> -> memref<128xi32, #tpu.memory_space<vmem>>
      %dma_start3A_325 = tpu.memref_slice %arg3[%add3A_24] : memref<16384xi32, #tpu.memory_space<hbm>> -> memref<128xi32, #tpu.memory_space<hbm>>
      tpu.enqueue_dma source(%dma_start3A_325 : memref<128xi32, #tpu.memory_space<hbm>>) target(%dma_start3A_324 : memref<128xi32, #tpu.memory_space<vmem>>) target_semaphore(%run_scoped3A_317 : memref<!tpu.dma_semaphore, #tpu.memory_space<semaphore_mem>>)
      %dma_wait3A_326 = arith.constant 0 : i32
      %dma_wait3A_327 = tpu.memref_slice %arg10[%run_scoped3A_25, %dma_wait3A_326] : memref<4x128xi32, #tpu.memory_space<vmem>> -> memref<1x128xi32, #tpu.memory_space<vmem>>
      %dma_wait3A_328 = tpu.memref_squeeze %dma_wait3A_327 : memref<1x128xi32, #tpu.memory_space<vmem>> -> memref<128xi32, #tpu.memory_space<vmem>>
      %dma_wait3A_329 = tpu.memref_slice %arg3[%add3A_24] : memref<16384xi32, #tpu.memory_space<hbm>> -> memref<128xi32, #tpu.memory_space<hbm>>
      %dma_wait3A_330 = arith.constant 0 : i32
      %dma_wait3A_331 = tpu.memref_slice %arg10[%run_scoped3A_25, %dma_wait3A_330] : memref<4x128xi32, #tpu.memory_space<vmem>> -> memref<1x128xi32, #tpu.memory_space<vmem>>
      %dma_wait3A_332 = tpu.memref_squeeze %dma_wait3A_331 : memref<1x128xi32, #tpu.memory_space<vmem>> -> memref<128xi32, #tpu.memory_space<vmem>>
      %dma_wait3A_333 = tpu.memref_slice %arg3[%add3A_24] : memref<16384xi32, #tpu.memory_space<hbm>> -> memref<128xi32, #tpu.memory_space<hbm>>
      tpu.wait_dma2 semaphore(%run_scoped3A_317 : memref<!tpu.dma_semaphore, #tpu.memory_space<semaphore_mem>>) src(%dma_wait3A_333 : memref<128xi32, #tpu.memory_space<hbm>>) dst(%dma_wait3A_332 : memref<128xi32, #tpu.memory_space<vmem>>)
      tpu.yield
    }) : () -> ()
    %dma_start3A = arith.constant 0 : i32
    %dma_start3A_26 = arith.constant 0 : i32
    %dma_start3A_27 = arith.constant 0 : i32
    %dma_start3A_28 = tpu.memref_slice %arg11[%dma_start3A_26, %dma_start3A_27] : memref<512x16xf32, #tpu.memory_space<vmem>> -> memref<128x16xf32, #tpu.memory_space<vmem>>
    %dma_start3A_29 = arith.constant 0 : i32
    %dma_start3A_30 = tpu.memref_slice %arg9[%dma_start3A, %dma_start3A_29] : memref<4x128xi32, #tpu.memory_space<vmem>> -> memref<1x128xi32, #tpu.memory_space<vmem>>
    %dma_start3A_31 = tpu.memref_squeeze %dma_start3A_30 : memref<1x128xi32, #tpu.memory_space<vmem>> -> memref<128xi32, #tpu.memory_space<vmem>>
    %dma_start3A_32 = arith.constant 0 : i32
    %dma_start3A_33 = arith.constant 0 : i32
    %dma_start3A_34 = tpu.memref_slice %arg4[%dma_start3A_32, %dma_start3A_33] : memref<1000000x16xf32, #tpu.memory_space<hbm>> -> memref<1000000x16xf32, #tpu.memory_space<hbm>>
    tpu.enqueue_indirect_dma source(%dma_start3A_34 : memref<1000000x16xf32, #tpu.memory_space<hbm>>) target(%dma_start3A_28 : memref<128x16xf32, #tpu.memory_space<vmem>>) offsets(%dma_start3A_31 : memref<128xi32, #tpu.memory_space<vmem>>) semaphore(%arg16 : memref<!tpu.dma_semaphore, #tpu.memory_space<semaphore_mem>>)
    %dma_start3A_35 = arith.constant 0 : i32
    %dma_start3A_36 = arith.constant 0 : i32
    %dma_start3A_37 = arith.constant 0 : i32
    %dma_start3A_38 = tpu.memref_slice %arg12[%dma_start3A_36, %dma_start3A_37] : memref<512x16xf32, #tpu.memory_space<vmem>> -> memref<128x16xf32, #tpu.memory_space<vmem>>
    %dma_start3A_39 = arith.constant 0 : i32
    %dma_start3A_40 = tpu.memref_slice %arg10[%dma_start3A_35, %dma_start3A_39] : memref<4x128xi32, #tpu.memory_space<vmem>> -> memref<1x128xi32, #tpu.memory_space<vmem>>
    %dma_start3A_41 = tpu.memref_squeeze %dma_start3A_40 : memref<1x128xi32, #tpu.memory_space<vmem>> -> memref<128xi32, #tpu.memory_space<vmem>>
    %dma_start3A_42 = arith.constant 0 : i32
    %dma_start3A_43 = arith.constant 0 : i32
    %dma_start3A_44 = tpu.memref_slice %arg5[%dma_start3A_42, %dma_start3A_43] : memref<100000x16xf32, #tpu.memory_space<hbm>> -> memref<100000x16xf32, #tpu.memory_space<hbm>>
    tpu.enqueue_indirect_dma source(%dma_start3A_44 : memref<100000x16xf32, #tpu.memory_space<hbm>>) target(%dma_start3A_38 : memref<128x16xf32, #tpu.memory_space<vmem>>) offsets(%dma_start3A_41 : memref<128xi32, #tpu.memory_space<vmem>>) semaphore(%arg16 : memref<!tpu.dma_semaphore, #tpu.memory_space<semaphore_mem>>)
    %dma_start3A_45 = arith.constant 0 : i32
    %dma_start3A_46 = arith.constant 0 : i32
    %dma_start3A_47 = tpu.memref_slice %arg13[%dma_start3A_46] : memref<512xf32, #tpu.memory_space<vmem>> -> memref<128xf32, #tpu.memory_space<vmem>>
    %dma_start3A_48 = arith.constant 0 : i32
    %dma_start3A_49 = tpu.memref_slice %arg9[%dma_start3A_45, %dma_start3A_48] : memref<4x128xi32, #tpu.memory_space<vmem>> -> memref<1x128xi32, #tpu.memory_space<vmem>>
    %dma_start3A_50 = tpu.memref_squeeze %dma_start3A_49 : memref<1x128xi32, #tpu.memory_space<vmem>> -> memref<128xi32, #tpu.memory_space<vmem>>
    %dma_start3A_51 = arith.constant 0 : i32
    %dma_start3A_52 = tpu.memref_slice %arg6[%dma_start3A_51] : memref<1000000xf32, #tpu.memory_space<hbm>> -> memref<1000000xf32, #tpu.memory_space<hbm>>
    tpu.enqueue_indirect_dma source(%dma_start3A_52 : memref<1000000xf32, #tpu.memory_space<hbm>>) target(%dma_start3A_47 : memref<128xf32, #tpu.memory_space<vmem>>) offsets(%dma_start3A_50 : memref<128xi32, #tpu.memory_space<vmem>>) semaphore(%arg16 : memref<!tpu.dma_semaphore, #tpu.memory_space<semaphore_mem>>)
    %dma_start3A_53 = arith.constant 0 : i32
    %dma_start3A_54 = arith.constant 0 : i32
    %dma_start3A_55 = tpu.memref_slice %arg14[%dma_start3A_54] : memref<512xf32, #tpu.memory_space<vmem>> -> memref<128xf32, #tpu.memory_space<vmem>>
    %dma_start3A_56 = arith.constant 0 : i32
    %dma_start3A_57 = tpu.memref_slice %arg10[%dma_start3A_53, %dma_start3A_56] : memref<4x128xi32, #tpu.memory_space<vmem>> -> memref<1x128xi32, #tpu.memory_space<vmem>>
    %dma_start3A_58 = tpu.memref_squeeze %dma_start3A_57 : memref<1x128xi32, #tpu.memory_space<vmem>> -> memref<128xi32, #tpu.memory_space<vmem>>
    %dma_start3A_59 = arith.constant 0 : i32
    %dma_start3A_60 = tpu.memref_slice %arg7[%dma_start3A_59] : memref<100000xf32, #tpu.memory_space<hbm>> -> memref<100000xf32, #tpu.memory_space<hbm>>
    tpu.enqueue_indirect_dma source(%dma_start3A_60 : memref<100000xf32, #tpu.memory_space<hbm>>) target(%dma_start3A_55 : memref<128xf32, #tpu.memory_space<vmem>>) offsets(%dma_start3A_58 : memref<128xi32, #tpu.memory_space<vmem>>) semaphore(%arg16 : memref<!tpu.dma_semaphore, #tpu.memory_space<semaphore_mem>>)
    %dma_start3A_61 = arith.constant 1 : i32
    %dma_start3A_62 = arith.constant 128 : i32
    %dma_start3A_63 = arith.constant 0 : i32
    %dma_start3A_64 = tpu.memref_slice %arg11[%dma_start3A_62, %dma_start3A_63] : memref<512x16xf32, #tpu.memory_space<vmem>> -> memref<128x16xf32, #tpu.memory_space<vmem>>
    %dma_start3A_65 = arith.constant 0 : i32
    %dma_start3A_66 = tpu.memref_slice %arg9[%dma_start3A_61, %dma_start3A_65] : memref<4x128xi32, #tpu.memory_space<vmem>> -> memref<1x128xi32, #tpu.memory_space<vmem>>
    %dma_start3A_67 = tpu.memref_squeeze %dma_start3A_66 : memref<1x128xi32, #tpu.memory_space<vmem>> -> memref<128xi32, #tpu.memory_space<vmem>>
    %dma_start3A_68 = arith.constant 0 : i32
    %dma_start3A_69 = arith.constant 0 : i32
    %dma_start3A_70 = tpu.memref_slice %arg4[%dma_start3A_68, %dma_start3A_69] : memref<1000000x16xf32, #tpu.memory_space<hbm>> -> memref<1000000x16xf32, #tpu.memory_space<hbm>>
    tpu.enqueue_indirect_dma source(%dma_start3A_70 : memref<1000000x16xf32, #tpu.memory_space<hbm>>) target(%dma_start3A_64 : memref<128x16xf32, #tpu.memory_space<vmem>>) offsets(%dma_start3A_67 : memref<128xi32, #tpu.memory_space<vmem>>) semaphore(%arg16 : memref<!tpu.dma_semaphore, #tpu.memory_space<semaphore_mem>>)
    %dma_start3A_71 = arith.constant 1 : i32
    %dma_start3A_72 = arith.constant 128 : i32
    %dma_start3A_73 = arith.constant 0 : i32
    %dma_start3A_74 = tpu.memref_slice %arg12[%dma_start3A_72, %dma_start3A_73] : memref<512x16xf32, #tpu.memory_space<vmem>> -> memref<128x16xf32, #tpu.memory_space<vmem>>
    %dma_start3A_75 = arith.constant 0 : i32
    %dma_start3A_76 = tpu.memref_slice %arg10[%dma_start3A_71, %dma_start3A_75] : memref<4x128xi32, #tpu.memory_space<vmem>> -> memref<1x128xi32, #tpu.memory_space<vmem>>
    %dma_start3A_77 = tpu.memref_squeeze %dma_start3A_76 : memref<1x128xi32, #tpu.memory_space<vmem>> -> memref<128xi32, #tpu.memory_space<vmem>>
    %dma_start3A_78 = arith.constant 0 : i32
    %dma_start3A_79 = arith.constant 0 : i32
    %dma_start3A_80 = tpu.memref_slice %arg5[%dma_start3A_78, %dma_start3A_79] : memref<100000x16xf32, #tpu.memory_space<hbm>> -> memref<100000x16xf32, #tpu.memory_space<hbm>>
    tpu.enqueue_indirect_dma source(%dma_start3A_80 : memref<100000x16xf32, #tpu.memory_space<hbm>>) target(%dma_start3A_74 : memref<128x16xf32, #tpu.memory_space<vmem>>) offsets(%dma_start3A_77 : memref<128xi32, #tpu.memory_space<vmem>>) semaphore(%arg16 : memref<!tpu.dma_semaphore, #tpu.memory_space<semaphore_mem>>)
    %dma_start3A_81 = arith.constant 1 : i32
    %dma_start3A_82 = arith.constant 128 : i32
    %dma_start3A_83 = tpu.memref_slice %arg13[%dma_start3A_82] : memref<512xf32, #tpu.memory_space<vmem>> -> memref<128xf32, #tpu.memory_space<vmem>>
    %dma_start3A_84 = arith.constant 0 : i32
    %dma_start3A_85 = tpu.memref_slice %arg9[%dma_start3A_81, %dma_start3A_84] : memref<4x128xi32, #tpu.memory_space<vmem>> -> memref<1x128xi32, #tpu.memory_space<vmem>>
    %dma_start3A_86 = tpu.memref_squeeze %dma_start3A_85 : memref<1x128xi32, #tpu.memory_space<vmem>> -> memref<128xi32, #tpu.memory_space<vmem>>
    %dma_start3A_87 = arith.constant 0 : i32
    %dma_start3A_88 = tpu.memref_slice %arg6[%dma_start3A_87] : memref<1000000xf32, #tpu.memory_space<hbm>> -> memref<1000000xf32, #tpu.memory_space<hbm>>
    tpu.enqueue_indirect_dma source(%dma_start3A_88 : memref<1000000xf32, #tpu.memory_space<hbm>>) target(%dma_start3A_83 : memref<128xf32, #tpu.memory_space<vmem>>) offsets(%dma_start3A_86 : memref<128xi32, #tpu.memory_space<vmem>>) semaphore(%arg16 : memref<!tpu.dma_semaphore, #tpu.memory_space<semaphore_mem>>)
    %dma_start3A_89 = arith.constant 1 : i32
    %dma_start3A_90 = arith.constant 128 : i32
    %dma_start3A_91 = tpu.memref_slice %arg14[%dma_start3A_90] : memref<512xf32, #tpu.memory_space<vmem>> -> memref<128xf32, #tpu.memory_space<vmem>>
    %dma_start3A_92 = arith.constant 0 : i32
    %dma_start3A_93 = tpu.memref_slice %arg10[%dma_start3A_89, %dma_start3A_92] : memref<4x128xi32, #tpu.memory_space<vmem>> -> memref<1x128xi32, #tpu.memory_space<vmem>>
    %dma_start3A_94 = tpu.memref_squeeze %dma_start3A_93 : memref<1x128xi32, #tpu.memory_space<vmem>> -> memref<128xi32, #tpu.memory_space<vmem>>
    %dma_start3A_95 = arith.constant 0 : i32
    %dma_start3A_96 = tpu.memref_slice %arg7[%dma_start3A_95] : memref<100000xf32, #tpu.memory_space<hbm>> -> memref<100000xf32, #tpu.memory_space<hbm>>
    tpu.enqueue_indirect_dma source(%dma_start3A_96 : memref<100000xf32, #tpu.memory_space<hbm>>) target(%dma_start3A_91 : memref<128xf32, #tpu.memory_space<vmem>>) offsets(%dma_start3A_94 : memref<128xi32, #tpu.memory_space<vmem>>) semaphore(%arg16 : memref<!tpu.dma_semaphore, #tpu.memory_space<semaphore_mem>>)
    %dma_start3A_97 = arith.constant 2 : i32
    %dma_start3A_98 = arith.constant 256 : i32
    %dma_start3A_99 = arith.constant 0 : i32
    %dma_start3A_100 = tpu.memref_slice %arg11[%dma_start3A_98, %dma_start3A_99] : memref<512x16xf32, #tpu.memory_space<vmem>> -> memref<128x16xf32, #tpu.memory_space<vmem>>
    %dma_start3A_101 = arith.constant 0 : i32
    %dma_start3A_102 = tpu.memref_slice %arg9[%dma_start3A_97, %dma_start3A_101] : memref<4x128xi32, #tpu.memory_space<vmem>> -> memref<1x128xi32, #tpu.memory_space<vmem>>
    %dma_start3A_103 = tpu.memref_squeeze %dma_start3A_102 : memref<1x128xi32, #tpu.memory_space<vmem>> -> memref<128xi32, #tpu.memory_space<vmem>>
    %dma_start3A_104 = arith.constant 0 : i32
    %dma_start3A_105 = arith.constant 0 : i32
    %dma_start3A_106 = tpu.memref_slice %arg4[%dma_start3A_104, %dma_start3A_105] : memref<1000000x16xf32, #tpu.memory_space<hbm>> -> memref<1000000x16xf32, #tpu.memory_space<hbm>>
    tpu.enqueue_indirect_dma source(%dma_start3A_106 : memref<1000000x16xf32, #tpu.memory_space<hbm>>) target(%dma_start3A_100 : memref<128x16xf32, #tpu.memory_space<vmem>>) offsets(%dma_start3A_103 : memref<128xi32, #tpu.memory_space<vmem>>) semaphore(%arg16 : memref<!tpu.dma_semaphore, #tpu.memory_space<semaphore_mem>>)
    %dma_start3A_107 = arith.constant 2 : i32
    %dma_start3A_108 = arith.constant 256 : i32
    %dma_start3A_109 = arith.constant 0 : i32
    %dma_start3A_110 = tpu.memref_slice %arg12[%dma_start3A_108, %dma_start3A_109] : memref<512x16xf32, #tpu.memory_space<vmem>> -> memref<128x16xf32, #tpu.memory_space<vmem>>
    %dma_start3A_111 = arith.constant 0 : i32
    %dma_start3A_112 = tpu.memref_slice %arg10[%dma_start3A_107, %dma_start3A_111] : memref<4x128xi32, #tpu.memory_space<vmem>> -> memref<1x128xi32, #tpu.memory_space<vmem>>
    %dma_start3A_113 = tpu.memref_squeeze %dma_start3A_112 : memref<1x128xi32, #tpu.memory_space<vmem>> -> memref<128xi32, #tpu.memory_space<vmem>>
    %dma_start3A_114 = arith.constant 0 : i32
    %dma_start3A_115 = arith.constant 0 : i32
    %dma_start3A_116 = tpu.memref_slice %arg5[%dma_start3A_114, %dma_start3A_115] : memref<100000x16xf32, #tpu.memory_space<hbm>> -> memref<100000x16xf32, #tpu.memory_space<hbm>>
    tpu.enqueue_indirect_dma source(%dma_start3A_116 : memref<100000x16xf32, #tpu.memory_space<hbm>>) target(%dma_start3A_110 : memref<128x16xf32, #tpu.memory_space<vmem>>) offsets(%dma_start3A_113 : memref<128xi32, #tpu.memory_space<vmem>>) semaphore(%arg16 : memref<!tpu.dma_semaphore, #tpu.memory_space<semaphore_mem>>)
    %dma_start3A_117 = arith.constant 2 : i32
    %dma_start3A_118 = arith.constant 256 : i32
    %dma_start3A_119 = tpu.memref_slice %arg13[%dma_start3A_118] : memref<512xf32, #tpu.memory_space<vmem>> -> memref<128xf32, #tpu.memory_space<vmem>>
    %dma_start3A_120 = arith.constant 0 : i32
    %dma_start3A_121 = tpu.memref_slice %arg9[%dma_start3A_117, %dma_start3A_120] : memref<4x128xi32, #tpu.memory_space<vmem>> -> memref<1x128xi32, #tpu.memory_space<vmem>>
    %dma_start3A_122 = tpu.memref_squeeze %dma_start3A_121 : memref<1x128xi32, #tpu.memory_space<vmem>> -> memref<128xi32, #tpu.memory_space<vmem>>
    %dma_start3A_123 = arith.constant 0 : i32
    %dma_start3A_124 = tpu.memref_slice %arg6[%dma_start3A_123] : memref<1000000xf32, #tpu.memory_space<hbm>> -> memref<1000000xf32, #tpu.memory_space<hbm>>
    tpu.enqueue_indirect_dma source(%dma_start3A_124 : memref<1000000xf32, #tpu.memory_space<hbm>>) target(%dma_start3A_119 : memref<128xf32, #tpu.memory_space<vmem>>) offsets(%dma_start3A_122 : memref<128xi32, #tpu.memory_space<vmem>>) semaphore(%arg16 : memref<!tpu.dma_semaphore, #tpu.memory_space<semaphore_mem>>)
    %dma_start3A_125 = arith.constant 2 : i32
    %dma_start3A_126 = arith.constant 256 : i32
    %dma_start3A_127 = tpu.memref_slice %arg14[%dma_start3A_126] : memref<512xf32, #tpu.memory_space<vmem>> -> memref<128xf32, #tpu.memory_space<vmem>>
    %dma_start3A_128 = arith.constant 0 : i32
    %dma_start3A_129 = tpu.memref_slice %arg10[%dma_start3A_125, %dma_start3A_128] : memref<4x128xi32, #tpu.memory_space<vmem>> -> memref<1x128xi32, #tpu.memory_space<vmem>>
    %dma_start3A_130 = tpu.memref_squeeze %dma_start3A_129 : memref<1x128xi32, #tpu.memory_space<vmem>> -> memref<128xi32, #tpu.memory_space<vmem>>
    %dma_start3A_131 = arith.constant 0 : i32
    %dma_start3A_132 = tpu.memref_slice %arg7[%dma_start3A_131] : memref<100000xf32, #tpu.memory_space<hbm>> -> memref<100000xf32, #tpu.memory_space<hbm>>
    tpu.enqueue_indirect_dma source(%dma_start3A_132 : memref<100000xf32, #tpu.memory_space<hbm>>) target(%dma_start3A_127 : memref<128xf32, #tpu.memory_space<vmem>>) offsets(%dma_start3A_130 : memref<128xi32, #tpu.memory_space<vmem>>) semaphore(%arg16 : memref<!tpu.dma_semaphore, #tpu.memory_space<semaphore_mem>>)
    %dma_start3A_133 = arith.constant 3 : i32
    %dma_start3A_134 = arith.constant 384 : i32
    %dma_start3A_135 = arith.constant 0 : i32
    %dma_start3A_136 = tpu.memref_slice %arg11[%dma_start3A_134, %dma_start3A_135] : memref<512x16xf32, #tpu.memory_space<vmem>> -> memref<128x16xf32, #tpu.memory_space<vmem>>
    %dma_start3A_137 = arith.constant 0 : i32
    %dma_start3A_138 = tpu.memref_slice %arg9[%dma_start3A_133, %dma_start3A_137] : memref<4x128xi32, #tpu.memory_space<vmem>> -> memref<1x128xi32, #tpu.memory_space<vmem>>
    %dma_start3A_139 = tpu.memref_squeeze %dma_start3A_138 : memref<1x128xi32, #tpu.memory_space<vmem>> -> memref<128xi32, #tpu.memory_space<vmem>>
    %dma_start3A_140 = arith.constant 0 : i32
    %dma_start3A_141 = arith.constant 0 : i32
    %dma_start3A_142 = tpu.memref_slice %arg4[%dma_start3A_140, %dma_start3A_141] : memref<1000000x16xf32, #tpu.memory_space<hbm>> -> memref<1000000x16xf32, #tpu.memory_space<hbm>>
    tpu.enqueue_indirect_dma source(%dma_start3A_142 : memref<1000000x16xf32, #tpu.memory_space<hbm>>) target(%dma_start3A_136 : memref<128x16xf32, #tpu.memory_space<vmem>>) offsets(%dma_start3A_139 : memref<128xi32, #tpu.memory_space<vmem>>) semaphore(%arg16 : memref<!tpu.dma_semaphore, #tpu.memory_space<semaphore_mem>>)
    %dma_start3A_143 = arith.constant 3 : i32
    %dma_start3A_144 = arith.constant 384 : i32
    %dma_start3A_145 = arith.constant 0 : i32
    %dma_start3A_146 = tpu.memref_slice %arg12[%dma_start3A_144, %dma_start3A_145] : memref<512x16xf32, #tpu.memory_space<vmem>> -> memref<128x16xf32, #tpu.memory_space<vmem>>
    %dma_start3A_147 = arith.constant 0 : i32
    %dma_start3A_148 = tpu.memref_slice %arg10[%dma_start3A_143, %dma_start3A_147] : memref<4x128xi32, #tpu.memory_space<vmem>> -> memref<1x128xi32, #tpu.memory_space<vmem>>
    %dma_start3A_149 = tpu.memref_squeeze %dma_start3A_148 : memref<1x128xi32, #tpu.memory_space<vmem>> -> memref<128xi32, #tpu.memory_space<vmem>>
    %dma_start3A_150 = arith.constant 0 : i32
    %dma_start3A_151 = arith.constant 0 : i32
    %dma_start3A_152 = tpu.memref_slice %arg5[%dma_start3A_150, %dma_start3A_151] : memref<100000x16xf32, #tpu.memory_space<hbm>> -> memref<100000x16xf32, #tpu.memory_space<hbm>>
    tpu.enqueue_indirect_dma source(%dma_start3A_152 : memref<100000x16xf32, #tpu.memory_space<hbm>>) target(%dma_start3A_146 : memref<128x16xf32, #tpu.memory_space<vmem>>) offsets(%dma_start3A_149 : memref<128xi32, #tpu.memory_space<vmem>>) semaphore(%arg16 : memref<!tpu.dma_semaphore, #tpu.memory_space<semaphore_mem>>)
    %dma_start3A_153 = arith.constant 3 : i32
    %dma_start3A_154 = arith.constant 384 : i32
    %dma_start3A_155 = tpu.memref_slice %arg13[%dma_start3A_154] : memref<512xf32, #tpu.memory_space<vmem>> -> memref<128xf32, #tpu.memory_space<vmem>>
    %dma_start3A_156 = arith.constant 0 : i32
    %dma_start3A_157 = tpu.memref_slice %arg9[%dma_start3A_153, %dma_start3A_156] : memref<4x128xi32, #tpu.memory_space<vmem>> -> memref<1x128xi32, #tpu.memory_space<vmem>>
    %dma_start3A_158 = tpu.memref_squeeze %dma_start3A_157 : memref<1x128xi32, #tpu.memory_space<vmem>> -> memref<128xi32, #tpu.memory_space<vmem>>
    %dma_start3A_159 = arith.constant 0 : i32
    %dma_start3A_160 = tpu.memref_slice %arg6[%dma_start3A_159] : memref<1000000xf32, #tpu.memory_space<hbm>> -> memref<1000000xf32, #tpu.memory_space<hbm>>
    tpu.enqueue_indirect_dma source(%dma_start3A_160 : memref<1000000xf32, #tpu.memory_space<hbm>>) target(%dma_start3A_155 : memref<128xf32, #tpu.memory_space<vmem>>) offsets(%dma_start3A_158 : memref<128xi32, #tpu.memory_space<vmem>>) semaphore(%arg16 : memref<!tpu.dma_semaphore, #tpu.memory_space<semaphore_mem>>)
    %dma_start3A_161 = arith.constant 3 : i32
    %dma_start3A_162 = arith.constant 384 : i32
    %dma_start3A_163 = tpu.memref_slice %arg14[%dma_start3A_162] : memref<512xf32, #tpu.memory_space<vmem>> -> memref<128xf32, #tpu.memory_space<vmem>>
    %dma_start3A_164 = arith.constant 0 : i32
    %dma_start3A_165 = tpu.memref_slice %arg10[%dma_start3A_161, %dma_start3A_164] : memref<4x128xi32, #tpu.memory_space<vmem>> -> memref<1x128xi32, #tpu.memory_space<vmem>>
    %dma_start3A_166 = tpu.memref_squeeze %dma_start3A_165 : memref<1x128xi32, #tpu.memory_space<vmem>> -> memref<128xi32, #tpu.memory_space<vmem>>
    %dma_start3A_167 = arith.constant 0 : i32
    %dma_start3A_168 = tpu.memref_slice %arg7[%dma_start3A_167] : memref<100000xf32, #tpu.memory_space<hbm>> -> memref<100000xf32, #tpu.memory_space<hbm>>
    tpu.enqueue_indirect_dma source(%dma_start3A_168 : memref<100000xf32, #tpu.memory_space<hbm>>) target(%dma_start3A_163 : memref<128xf32, #tpu.memory_space<vmem>>) offsets(%dma_start3A_166 : memref<128xi32, #tpu.memory_space<vmem>>) semaphore(%arg16 : memref<!tpu.dma_semaphore, #tpu.memory_space<semaphore_mem>>)
    %dma_wait3A = arith.constant 0 : i32
    %dma_wait3A_169 = arith.constant 0 : i32
    %dma_wait3A_170 = arith.constant 0 : i32
    %dma_wait3A_171 = tpu.memref_slice %arg11[%dma_wait3A_169, %dma_wait3A_170] : memref<512x16xf32, #tpu.memory_space<vmem>> -> memref<128x16xf32, #tpu.memory_space<vmem>>
    %dma_wait3A_172 = arith.constant 0 : i32
    %dma_wait3A_173 = tpu.memref_slice %arg9[%dma_wait3A, %dma_wait3A_172] : memref<4x128xi32, #tpu.memory_space<vmem>> -> memref<1x128xi32, #tpu.memory_space<vmem>>
    %dma_wait3A_174 = tpu.memref_squeeze %dma_wait3A_173 : memref<1x128xi32, #tpu.memory_space<vmem>> -> memref<128xi32, #tpu.memory_space<vmem>>
    %dma_wait3A_175 = arith.constant 0 : i32
    %dma_wait3A_176 = arith.constant 0 : i32
    %dma_wait3A_177 = tpu.memref_slice %arg4[%dma_wait3A_175, %dma_wait3A_176] : memref<1000000x16xf32, #tpu.memory_space<hbm>> -> memref<1000000x16xf32, #tpu.memory_space<hbm>>
    tpu.wait_indirect_dma semaphore(%arg16 : memref<!tpu.dma_semaphore, #tpu.memory_space<semaphore_mem>>) src(%dma_wait3A_177 : memref<1000000x16xf32, #tpu.memory_space<hbm>>) dst(%dma_wait3A_171 : memref<128x16xf32, #tpu.memory_space<vmem>>)
    %dma_wait3A_178 = arith.constant 0 : i32
    %dma_wait3A_179 = arith.constant 0 : i32
    %dma_wait3A_180 = arith.constant 0 : i32
    %dma_wait3A_181 = tpu.memref_slice %arg12[%dma_wait3A_179, %dma_wait3A_180] : memref<512x16xf32, #tpu.memory_space<vmem>> -> memref<128x16xf32, #tpu.memory_space<vmem>>
    %dma_wait3A_182 = arith.constant 0 : i32
    %dma_wait3A_183 = tpu.memref_slice %arg10[%dma_wait3A_178, %dma_wait3A_182] : memref<4x128xi32, #tpu.memory_space<vmem>> -> memref<1x128xi32, #tpu.memory_space<vmem>>
    %dma_wait3A_184 = tpu.memref_squeeze %dma_wait3A_183 : memref<1x128xi32, #tpu.memory_space<vmem>> -> memref<128xi32, #tpu.memory_space<vmem>>
    %dma_wait3A_185 = arith.constant 0 : i32
    %dma_wait3A_186 = arith.constant 0 : i32
    %dma_wait3A_187 = tpu.memref_slice %arg5[%dma_wait3A_185, %dma_wait3A_186] : memref<100000x16xf32, #tpu.memory_space<hbm>> -> memref<100000x16xf32, #tpu.memory_space<hbm>>
    tpu.wait_indirect_dma semaphore(%arg16 : memref<!tpu.dma_semaphore, #tpu.memory_space<semaphore_mem>>) src(%dma_wait3A_187 : memref<100000x16xf32, #tpu.memory_space<hbm>>) dst(%dma_wait3A_181 : memref<128x16xf32, #tpu.memory_space<vmem>>)
    %dma_wait3A_188 = arith.constant 0 : i32
    %dma_wait3A_189 = arith.constant 0 : i32
    %dma_wait3A_190 = tpu.memref_slice %arg13[%dma_wait3A_189] : memref<512xf32, #tpu.memory_space<vmem>> -> memref<128xf32, #tpu.memory_space<vmem>>
    %dma_wait3A_191 = arith.constant 0 : i32
    %dma_wait3A_192 = tpu.memref_slice %arg9[%dma_wait3A_188, %dma_wait3A_191] : memref<4x128xi32, #tpu.memory_space<vmem>> -> memref<1x128xi32, #tpu.memory_space<vmem>>
    %dma_wait3A_193 = tpu.memref_squeeze %dma_wait3A_192 : memref<1x128xi32, #tpu.memory_space<vmem>> -> memref<128xi32, #tpu.memory_space<vmem>>
    %dma_wait3A_194 = arith.constant 0 : i32
    %dma_wait3A_195 = tpu.memref_slice %arg6[%dma_wait3A_194] : memref<1000000xf32, #tpu.memory_space<hbm>> -> memref<1000000xf32, #tpu.memory_space<hbm>>
    tpu.wait_indirect_dma semaphore(%arg16 : memref<!tpu.dma_semaphore, #tpu.memory_space<semaphore_mem>>) src(%dma_wait3A_195 : memref<1000000xf32, #tpu.memory_space<hbm>>) dst(%dma_wait3A_190 : memref<128xf32, #tpu.memory_space<vmem>>)
    %dma_wait3A_196 = arith.constant 0 : i32
    %dma_wait3A_197 = arith.constant 0 : i32
    %dma_wait3A_198 = tpu.memref_slice %arg14[%dma_wait3A_197] : memref<512xf32, #tpu.memory_space<vmem>> -> memref<128xf32, #tpu.memory_space<vmem>>
    %dma_wait3A_199 = arith.constant 0 : i32
    %dma_wait3A_200 = tpu.memref_slice %arg10[%dma_wait3A_196, %dma_wait3A_199] : memref<4x128xi32, #tpu.memory_space<vmem>> -> memref<1x128xi32, #tpu.memory_space<vmem>>
    %dma_wait3A_201 = tpu.memref_squeeze %dma_wait3A_200 : memref<1x128xi32, #tpu.memory_space<vmem>> -> memref<128xi32, #tpu.memory_space<vmem>>
    %dma_wait3A_202 = arith.constant 0 : i32
    %dma_wait3A_203 = tpu.memref_slice %arg7[%dma_wait3A_202] : memref<100000xf32, #tpu.memory_space<hbm>> -> memref<100000xf32, #tpu.memory_space<hbm>>
    tpu.wait_indirect_dma semaphore(%arg16 : memref<!tpu.dma_semaphore, #tpu.memory_space<semaphore_mem>>) src(%dma_wait3A_203 : memref<100000xf32, #tpu.memory_space<hbm>>) dst(%dma_wait3A_198 : memref<128xf32, #tpu.memory_space<vmem>>)
    %dma_wait3A_204 = arith.constant 1 : i32
    %dma_wait3A_205 = arith.constant 128 : i32
    %dma_wait3A_206 = arith.constant 0 : i32
    %dma_wait3A_207 = tpu.memref_slice %arg11[%dma_wait3A_205, %dma_wait3A_206] : memref<512x16xf32, #tpu.memory_space<vmem>> -> memref<128x16xf32, #tpu.memory_space<vmem>>
    %dma_wait3A_208 = arith.constant 0 : i32
    %dma_wait3A_209 = tpu.memref_slice %arg9[%dma_wait3A_204, %dma_wait3A_208] : memref<4x128xi32, #tpu.memory_space<vmem>> -> memref<1x128xi32, #tpu.memory_space<vmem>>
    %dma_wait3A_210 = tpu.memref_squeeze %dma_wait3A_209 : memref<1x128xi32, #tpu.memory_space<vmem>> -> memref<128xi32, #tpu.memory_space<vmem>>
    %dma_wait3A_211 = arith.constant 0 : i32
    %dma_wait3A_212 = arith.constant 0 : i32
    %dma_wait3A_213 = tpu.memref_slice %arg4[%dma_wait3A_211, %dma_wait3A_212] : memref<1000000x16xf32, #tpu.memory_space<hbm>> -> memref<1000000x16xf32, #tpu.memory_space<hbm>>
    tpu.wait_indirect_dma semaphore(%arg16 : memref<!tpu.dma_semaphore, #tpu.memory_space<semaphore_mem>>) src(%dma_wait3A_213 : memref<1000000x16xf32, #tpu.memory_space<hbm>>) dst(%dma_wait3A_207 : memref<128x16xf32, #tpu.memory_space<vmem>>)
    %dma_wait3A_214 = arith.constant 1 : i32
    %dma_wait3A_215 = arith.constant 128 : i32
    %dma_wait3A_216 = arith.constant 0 : i32
    %dma_wait3A_217 = tpu.memref_slice %arg12[%dma_wait3A_215, %dma_wait3A_216] : memref<512x16xf32, #tpu.memory_space<vmem>> -> memref<128x16xf32, #tpu.memory_space<vmem>>
    %dma_wait3A_218 = arith.constant 0 : i32
    %dma_wait3A_219 = tpu.memref_slice %arg10[%dma_wait3A_214, %dma_wait3A_218] : memref<4x128xi32, #tpu.memory_space<vmem>> -> memref<1x128xi32, #tpu.memory_space<vmem>>
    %dma_wait3A_220 = tpu.memref_squeeze %dma_wait3A_219 : memref<1x128xi32, #tpu.memory_space<vmem>> -> memref<128xi32, #tpu.memory_space<vmem>>
    %dma_wait3A_221 = arith.constant 0 : i32
    %dma_wait3A_222 = arith.constant 0 : i32
    %dma_wait3A_223 = tpu.memref_slice %arg5[%dma_wait3A_221, %dma_wait3A_222] : memref<100000x16xf32, #tpu.memory_space<hbm>> -> memref<100000x16xf32, #tpu.memory_space<hbm>>
    tpu.wait_indirect_dma semaphore(%arg16 : memref<!tpu.dma_semaphore, #tpu.memory_space<semaphore_mem>>) src(%dma_wait3A_223 : memref<100000x16xf32, #tpu.memory_space<hbm>>) dst(%dma_wait3A_217 : memref<128x16xf32, #tpu.memory_space<vmem>>)
    %dma_wait3A_224 = arith.constant 1 : i32
    %dma_wait3A_225 = arith.constant 128 : i32
    %dma_wait3A_226 = tpu.memref_slice %arg13[%dma_wait3A_225] : memref<512xf32, #tpu.memory_space<vmem>> -> memref<128xf32, #tpu.memory_space<vmem>>
    %dma_wait3A_227 = arith.constant 0 : i32
    %dma_wait3A_228 = tpu.memref_slice %arg9[%dma_wait3A_224, %dma_wait3A_227] : memref<4x128xi32, #tpu.memory_space<vmem>> -> memref<1x128xi32, #tpu.memory_space<vmem>>
    %dma_wait3A_229 = tpu.memref_squeeze %dma_wait3A_228 : memref<1x128xi32, #tpu.memory_space<vmem>> -> memref<128xi32, #tpu.memory_space<vmem>>
    %dma_wait3A_230 = arith.constant 0 : i32
    %dma_wait3A_231 = tpu.memref_slice %arg6[%dma_wait3A_230] : memref<1000000xf32, #tpu.memory_space<hbm>> -> memref<1000000xf32, #tpu.memory_space<hbm>>
    tpu.wait_indirect_dma semaphore(%arg16 : memref<!tpu.dma_semaphore, #tpu.memory_space<semaphore_mem>>) src(%dma_wait3A_231 : memref<1000000xf32, #tpu.memory_space<hbm>>) dst(%dma_wait3A_226 : memref<128xf32, #tpu.memory_space<vmem>>)
    %dma_wait3A_232 = arith.constant 1 : i32
    %dma_wait3A_233 = arith.constant 128 : i32
    %dma_wait3A_234 = tpu.memref_slice %arg14[%dma_wait3A_233] : memref<512xf32, #tpu.memory_space<vmem>> -> memref<128xf32, #tpu.memory_space<vmem>>
    %dma_wait3A_235 = arith.constant 0 : i32
    %dma_wait3A_236 = tpu.memref_slice %arg10[%dma_wait3A_232, %dma_wait3A_235] : memref<4x128xi32, #tpu.memory_space<vmem>> -> memref<1x128xi32, #tpu.memory_space<vmem>>
    %dma_wait3A_237 = tpu.memref_squeeze %dma_wait3A_236 : memref<1x128xi32, #tpu.memory_space<vmem>> -> memref<128xi32, #tpu.memory_space<vmem>>
    %dma_wait3A_238 = arith.constant 0 : i32
    %dma_wait3A_239 = tpu.memref_slice %arg7[%dma_wait3A_238] : memref<100000xf32, #tpu.memory_space<hbm>> -> memref<100000xf32, #tpu.memory_space<hbm>>
    tpu.wait_indirect_dma semaphore(%arg16 : memref<!tpu.dma_semaphore, #tpu.memory_space<semaphore_mem>>) src(%dma_wait3A_239 : memref<100000xf32, #tpu.memory_space<hbm>>) dst(%dma_wait3A_234 : memref<128xf32, #tpu.memory_space<vmem>>)
    %dma_wait3A_240 = arith.constant 2 : i32
    %dma_wait3A_241 = arith.constant 256 : i32
    %dma_wait3A_242 = arith.constant 0 : i32
    %dma_wait3A_243 = tpu.memref_slice %arg11[%dma_wait3A_241, %dma_wait3A_242] : memref<512x16xf32, #tpu.memory_space<vmem>> -> memref<128x16xf32, #tpu.memory_space<vmem>>
    %dma_wait3A_244 = arith.constant 0 : i32
    %dma_wait3A_245 = tpu.memref_slice %arg9[%dma_wait3A_240, %dma_wait3A_244] : memref<4x128xi32, #tpu.memory_space<vmem>> -> memref<1x128xi32, #tpu.memory_space<vmem>>
    %dma_wait3A_246 = tpu.memref_squeeze %dma_wait3A_245 : memref<1x128xi32, #tpu.memory_space<vmem>> -> memref<128xi32, #tpu.memory_space<vmem>>
    %dma_wait3A_247 = arith.constant 0 : i32
    %dma_wait3A_248 = arith.constant 0 : i32
    %dma_wait3A_249 = tpu.memref_slice %arg4[%dma_wait3A_247, %dma_wait3A_248] : memref<1000000x16xf32, #tpu.memory_space<hbm>> -> memref<1000000x16xf32, #tpu.memory_space<hbm>>
    tpu.wait_indirect_dma semaphore(%arg16 : memref<!tpu.dma_semaphore, #tpu.memory_space<semaphore_mem>>) src(%dma_wait3A_249 : memref<1000000x16xf32, #tpu.memory_space<hbm>>) dst(%dma_wait3A_243 : memref<128x16xf32, #tpu.memory_space<vmem>>)
    %dma_wait3A_250 = arith.constant 2 : i32
    %dma_wait3A_251 = arith.constant 256 : i32
    %dma_wait3A_252 = arith.constant 0 : i32
    %dma_wait3A_253 = tpu.memref_slice %arg12[%dma_wait3A_251, %dma_wait3A_252] : memref<512x16xf32, #tpu.memory_space<vmem>> -> memref<128x16xf32, #tpu.memory_space<vmem>>
    %dma_wait3A_254 = arith.constant 0 : i32
    %dma_wait3A_255 = tpu.memref_slice %arg10[%dma_wait3A_250, %dma_wait3A_254] : memref<4x128xi32, #tpu.memory_space<vmem>> -> memref<1x128xi32, #tpu.memory_space<vmem>>
    %dma_wait3A_256 = tpu.memref_squeeze %dma_wait3A_255 : memref<1x128xi32, #tpu.memory_space<vmem>> -> memref<128xi32, #tpu.memory_space<vmem>>
    %dma_wait3A_257 = arith.constant 0 : i32
    %dma_wait3A_258 = arith.constant 0 : i32
    %dma_wait3A_259 = tpu.memref_slice %arg5[%dma_wait3A_257, %dma_wait3A_258] : memref<100000x16xf32, #tpu.memory_space<hbm>> -> memref<100000x16xf32, #tpu.memory_space<hbm>>
    tpu.wait_indirect_dma semaphore(%arg16 : memref<!tpu.dma_semaphore, #tpu.memory_space<semaphore_mem>>) src(%dma_wait3A_259 : memref<100000x16xf32, #tpu.memory_space<hbm>>) dst(%dma_wait3A_253 : memref<128x16xf32, #tpu.memory_space<vmem>>)
    %dma_wait3A_260 = arith.constant 2 : i32
    %dma_wait3A_261 = arith.constant 256 : i32
    %dma_wait3A_262 = tpu.memref_slice %arg13[%dma_wait3A_261] : memref<512xf32, #tpu.memory_space<vmem>> -> memref<128xf32, #tpu.memory_space<vmem>>
    %dma_wait3A_263 = arith.constant 0 : i32
    %dma_wait3A_264 = tpu.memref_slice %arg9[%dma_wait3A_260, %dma_wait3A_263] : memref<4x128xi32, #tpu.memory_space<vmem>> -> memref<1x128xi32, #tpu.memory_space<vmem>>
    %dma_wait3A_265 = tpu.memref_squeeze %dma_wait3A_264 : memref<1x128xi32, #tpu.memory_space<vmem>> -> memref<128xi32, #tpu.memory_space<vmem>>
    %dma_wait3A_266 = arith.constant 0 : i32
    %dma_wait3A_267 = tpu.memref_slice %arg6[%dma_wait3A_266] : memref<1000000xf32, #tpu.memory_space<hbm>> -> memref<1000000xf32, #tpu.memory_space<hbm>>
    tpu.wait_indirect_dma semaphore(%arg16 : memref<!tpu.dma_semaphore, #tpu.memory_space<semaphore_mem>>) src(%dma_wait3A_267 : memref<1000000xf32, #tpu.memory_space<hbm>>) dst(%dma_wait3A_262 : memref<128xf32, #tpu.memory_space<vmem>>)
    %dma_wait3A_268 = arith.constant 2 : i32
    %dma_wait3A_269 = arith.constant 256 : i32
    %dma_wait3A_270 = tpu.memref_slice %arg14[%dma_wait3A_269] : memref<512xf32, #tpu.memory_space<vmem>> -> memref<128xf32, #tpu.memory_space<vmem>>
    %dma_wait3A_271 = arith.constant 0 : i32
    %dma_wait3A_272 = tpu.memref_slice %arg10[%dma_wait3A_268, %dma_wait3A_271] : memref<4x128xi32, #tpu.memory_space<vmem>> -> memref<1x128xi32, #tpu.memory_space<vmem>>
    %dma_wait3A_273 = tpu.memref_squeeze %dma_wait3A_272 : memref<1x128xi32, #tpu.memory_space<vmem>> -> memref<128xi32, #tpu.memory_space<vmem>>
    %dma_wait3A_274 = arith.constant 0 : i32
    %dma_wait3A_275 = tpu.memref_slice %arg7[%dma_wait3A_274] : memref<100000xf32, #tpu.memory_space<hbm>> -> memref<100000xf32, #tpu.memory_space<hbm>>
    tpu.wait_indirect_dma semaphore(%arg16 : memref<!tpu.dma_semaphore, #tpu.memory_space<semaphore_mem>>) src(%dma_wait3A_275 : memref<100000xf32, #tpu.memory_space<hbm>>) dst(%dma_wait3A_270 : memref<128xf32, #tpu.memory_space<vmem>>)
    %dma_wait3A_276 = arith.constant 3 : i32
    %dma_wait3A_277 = arith.constant 384 : i32
    %dma_wait3A_278 = arith.constant 0 : i32
    %dma_wait3A_279 = tpu.memref_slice %arg11[%dma_wait3A_277, %dma_wait3A_278] : memref<512x16xf32, #tpu.memory_space<vmem>> -> memref<128x16xf32, #tpu.memory_space<vmem>>
    %dma_wait3A_280 = arith.constant 0 : i32
    %dma_wait3A_281 = tpu.memref_slice %arg9[%dma_wait3A_276, %dma_wait3A_280] : memref<4x128xi32, #tpu.memory_space<vmem>> -> memref<1x128xi32, #tpu.memory_space<vmem>>
    %dma_wait3A_282 = tpu.memref_squeeze %dma_wait3A_281 : memref<1x128xi32, #tpu.memory_space<vmem>> -> memref<128xi32, #tpu.memory_space<vmem>>
    %dma_wait3A_283 = arith.constant 0 : i32
    %dma_wait3A_284 = arith.constant 0 : i32
    %dma_wait3A_285 = tpu.memref_slice %arg4[%dma_wait3A_283, %dma_wait3A_284] : memref<1000000x16xf32, #tpu.memory_space<hbm>> -> memref<1000000x16xf32, #tpu.memory_space<hbm>>
    tpu.wait_indirect_dma semaphore(%arg16 : memref<!tpu.dma_semaphore, #tpu.memory_space<semaphore_mem>>) src(%dma_wait3A_285 : memref<1000000x16xf32, #tpu.memory_space<hbm>>) dst(%dma_wait3A_279 : memref<128x16xf32, #tpu.memory_space<vmem>>)
    %dma_wait3A_286 = arith.constant 3 : i32
    %dma_wait3A_287 = arith.constant 384 : i32
    %dma_wait3A_288 = arith.constant 0 : i32
    %dma_wait3A_289 = tpu.memref_slice %arg12[%dma_wait3A_287, %dma_wait3A_288] : memref<512x16xf32, #tpu.memory_space<vmem>> -> memref<128x16xf32, #tpu.memory_space<vmem>>
    %dma_wait3A_290 = arith.constant 0 : i32
    %dma_wait3A_291 = tpu.memref_slice %arg10[%dma_wait3A_286, %dma_wait3A_290] : memref<4x128xi32, #tpu.memory_space<vmem>> -> memref<1x128xi32, #tpu.memory_space<vmem>>
    %dma_wait3A_292 = tpu.memref_squeeze %dma_wait3A_291 : memref<1x128xi32, #tpu.memory_space<vmem>> -> memref<128xi32, #tpu.memory_space<vmem>>
    %dma_wait3A_293 = arith.constant 0 : i32
    %dma_wait3A_294 = arith.constant 0 : i32
    %dma_wait3A_295 = tpu.memref_slice %arg5[%dma_wait3A_293, %dma_wait3A_294] : memref<100000x16xf32, #tpu.memory_space<hbm>> -> memref<100000x16xf32, #tpu.memory_space<hbm>>
    tpu.wait_indirect_dma semaphore(%arg16 : memref<!tpu.dma_semaphore, #tpu.memory_space<semaphore_mem>>) src(%dma_wait3A_295 : memref<100000x16xf32, #tpu.memory_space<hbm>>) dst(%dma_wait3A_289 : memref<128x16xf32, #tpu.memory_space<vmem>>)
    %dma_wait3A_296 = arith.constant 3 : i32
    %dma_wait3A_297 = arith.constant 384 : i32
    %dma_wait3A_298 = tpu.memref_slice %arg13[%dma_wait3A_297] : memref<512xf32, #tpu.memory_space<vmem>> -> memref<128xf32, #tpu.memory_space<vmem>>
    %dma_wait3A_299 = arith.constant 0 : i32
    %dma_wait3A_300 = tpu.memref_slice %arg9[%dma_wait3A_296, %dma_wait3A_299] : memref<4x128xi32, #tpu.memory_space<vmem>> -> memref<1x128xi32, #tpu.memory_space<vmem>>
    %dma_wait3A_301 = tpu.memref_squeeze %dma_wait3A_300 : memref<1x128xi32, #tpu.memory_space<vmem>> -> memref<128xi32, #tpu.memory_space<vmem>>
    %dma_wait3A_302 = arith.constant 0 : i32
    %dma_wait3A_303 = tpu.memref_slice %arg6[%dma_wait3A_302] : memref<1000000xf32, #tpu.memory_space<hbm>> -> memref<1000000xf32, #tpu.memory_space<hbm>>
    tpu.wait_indirect_dma semaphore(%arg16 : memref<!tpu.dma_semaphore, #tpu.memory_space<semaphore_mem>>) src(%dma_wait3A_303 : memref<1000000xf32, #tpu.memory_space<hbm>>) dst(%dma_wait3A_298 : memref<128xf32, #tpu.memory_space<vmem>>)
    %dma_wait3A_304 = arith.constant 3 : i32
    %dma_wait3A_305 = arith.constant 384 : i32
    %dma_wait3A_306 = tpu.memref_slice %arg14[%dma_wait3A_305] : memref<512xf32, #tpu.memory_space<vmem>> -> memref<128xf32, #tpu.memory_space<vmem>>
    %dma_wait3A_307 = arith.constant 0 : i32
    %dma_wait3A_308 = tpu.memref_slice %arg10[%dma_wait3A_304, %dma_wait3A_307] : memref<4x128xi32, #tpu.memory_space<vmem>> -> memref<1x128xi32, #tpu.memory_space<vmem>>
    %dma_wait3A_309 = tpu.memref_squeeze %dma_wait3A_308 : memref<1x128xi32, #tpu.memory_space<vmem>> -> memref<128xi32, #tpu.memory_space<vmem>>
    %dma_wait3A_310 = arith.constant 0 : i32
    %dma_wait3A_311 = tpu.memref_slice %arg7[%dma_wait3A_310] : memref<100000xf32, #tpu.memory_space<hbm>> -> memref<100000xf32, #tpu.memory_space<hbm>>
    tpu.wait_indirect_dma semaphore(%arg16 : memref<!tpu.dma_semaphore, #tpu.memory_space<semaphore_mem>>) src(%dma_wait3A_311 : memref<100000xf32, #tpu.memory_space<hbm>>) dst(%dma_wait3A_306 : memref<128xf32, #tpu.memory_space<vmem>>)
    %iota3A = tpu.iota {dimensions = array<i32: 0>} : vector<16xi32>
    %scan3A = arith.constant 0 : i32
    %scan3A_312 = arith.constant 0 : i32
    %scan3A_313 = arith.constant 32 : i32
    %scan3A_314 = arith.addi %scan3A_312, %scan3A_313 : i32
    %scan3A_315 = arith.constant 1 : i32
    scf.for %scan3A_317 = %scan3A_312 to %scan3A_314 step %scan3A_315  : i32 {
      %mul3A_318 = arith.constant 16 : i32
      %mul3A_319 = arith.muli %scan3A_317, %mul3A_318 : i32
      %add3A_320 = vector.broadcast %mul3A_319 : i32 to vector<16xi32>
      %add3A_321 = arith.addi %add3A_320, %iota3A : vector<16xi32>
      %broadcast_in_dim3A = arith.constant 0.000000e+00 : f32
      %broadcast_in_dim3A_322 = vector.broadcast %broadcast_in_dim3A : f32 to vector<16xf32>
      %broadcast_in_dim3A_323 = arith.constant 0.000000e+00 : f32
      %broadcast_in_dim3A_324 = vector.broadcast %broadcast_in_dim3A_323 : f32 to vector<16xf32>
      %broadcast_in_dim3A_325 = arith.constant 0.000000e+00 : f32
      %broadcast_in_dim3A_326 = vector.broadcast %broadcast_in_dim3A_325 : f32 to vector<16xf32>
      %broadcast_in_dim3A_327 = arith.constant 0 : i32
      %broadcast_in_dim3A_328 = vector.broadcast %broadcast_in_dim3A_327 : i32 to vector<16xi32>
      %gather3A = tpu.vector_load_idx %arg11[%add3A_321, %broadcast_in_dim3A_328] : memref<512x16xf32, #tpu.memory_space<vmem>>[vector<16xi32>, vector<16xi32>], vector<16xf32>,
      %gather3A_329 = tpu.vector_load_idx %arg12[%add3A_321, %broadcast_in_dim3A_328] : memref<512x16xf32, #tpu.memory_space<vmem>>[vector<16xi32>, vector<16xi32>], vector<16xf32>,
      %mul3A_330 = arith.mulf %gather3A, %gather3A_329 : vector<16xf32>
      %add3A_331 = arith.addf %broadcast_in_dim3A_322, %mul3A_330 : vector<16xf32>
      %mul3A_332 = arith.mulf %gather3A, %gather3A : vector<16xf32>
      %add3A_333 = arith.addf %broadcast_in_dim3A_324, %mul3A_332 : vector<16xf32>
      %mul3A_334 = arith.mulf %gather3A_329, %gather3A_329 : vector<16xf32>
      %add3A_335 = arith.addf %broadcast_in_dim3A_326, %mul3A_334 : vector<16xf32>
      %broadcast_in_dim3A_336 = arith.constant 1 : i32
      %broadcast_in_dim3A_337 = vector.broadcast %broadcast_in_dim3A_336 : i32 to vector<16xi32>
      %gather3A_338 = tpu.vector_load_idx %arg11[%add3A_321, %broadcast_in_dim3A_337] : memref<512x16xf32, #tpu.memory_space<vmem>>[vector<16xi32>, vector<16xi32>], vector<16xf32>,
      %gather3A_339 = tpu.vector_load_idx %arg12[%add3A_321, %broadcast_in_dim3A_337] : memref<512x16xf32, #tpu.memory_space<vmem>>[vector<16xi32>, vector<16xi32>], vector<16xf32>,
      %mul3A_340 = arith.mulf %gather3A_338, %gather3A_339 : vector<16xf32>
      %add3A_341 = arith.addf %add3A_331, %mul3A_340 : vector<16xf32>
      %mul3A_342 = arith.mulf %gather3A_338, %gather3A_338 : vector<16xf32>
      %add3A_343 = arith.addf %add3A_333, %mul3A_342 : vector<16xf32>
      %mul3A_344 = arith.mulf %gather3A_339, %gather3A_339 : vector<16xf32>
      %add3A_345 = arith.addf %add3A_335, %mul3A_344 : vector<16xf32>
      %broadcast_in_dim3A_346 = arith.constant 2 : i32
      %broadcast_in_dim3A_347 = vector.broadcast %broadcast_in_dim3A_346 : i32 to vector<16xi32>
      %gather3A_348 = tpu.vector_load_idx %arg11[%add3A_321, %broadcast_in_dim3A_347] : memref<512x16xf32, #tpu.memory_space<vmem>>[vector<16xi32>, vector<16xi32>], vector<16xf32>,
      %gather3A_349 = tpu.vector_load_idx %arg12[%add3A_321, %broadcast_in_dim3A_347] : memref<512x16xf32, #tpu.memory_space<vmem>>[vector<16xi32>, vector<16xi32>], vector<16xf32>,
      %mul3A_350 = arith.mulf %gather3A_348, %gather3A_349 : vector<16xf32>
      %add3A_351 = arith.addf %add3A_341, %mul3A_350 : vector<16xf32>
      %mul3A_352 = arith.mulf %gather3A_348, %gather3A_348 : vector<16xf32>
      %add3A_353 = arith.addf %add3A_343, %mul3A_352 : vector<16xf32>
      %mul3A_354 = arith.mulf %gather3A_349, %gather3A_349 : vector<16xf32>
      %add3A_355 = arith.addf %add3A_345, %mul3A_354 : vector<16xf32>
      %broadcast_in_dim3A_356 = arith.constant 3 : i32
      %broadcast_in_dim3A_357 = vector.broadcast %broadcast_in_dim3A_356 : i32 to vector<16xi32>
      %gather3A_358 = tpu.vector_load_idx %arg11[%add3A_321, %broadcast_in_dim3A_357] : memref<512x16xf32, #tpu.memory_space<vmem>>[vector<16xi32>, vector<16xi32>], vector<16xf32>,
      %gather3A_359 = tpu.vector_load_idx %arg12[%add3A_321, %broadcast_in_dim3A_357] : memref<512x16xf32, #tpu.memory_space<vmem>>[vector<16xi32>, vector<16xi32>], vector<16xf32>,
      %mul3A_360 = arith.mulf %gather3A_358, %gather3A_359 : vector<16xf32>
      %add3A_361 = arith.addf %add3A_351, %mul3A_360 : vector<16xf32>
      %mul3A_362 = arith.mulf %gather3A_358, %gather3A_358 : vector<16xf32>
      %add3A_363 = arith.addf %add3A_353, %mul3A_362 : vector<16xf32>
      %mul3A_364 = arith.mulf %gather3A_359, %gather3A_359 : vector<16xf32>
      %add3A_365 = arith.addf %add3A_355, %mul3A_364 : vector<16xf32>
      %broadcast_in_dim3A_366 = arith.constant 4 : i32
      %broadcast_in_dim3A_367 = vector.broadcast %broadcast_in_dim3A_366 : i32 to vector<16xi32>
      %gather3A_368 = tpu.vector_load_idx %arg11[%add3A_321, %broadcast_in_dim3A_367] : memref<512x16xf32, #tpu.memory_space<vmem>>[vector<16xi32>, vector<16xi32>], vector<16xf32>,
      %gather3A_369 = tpu.vector_load_idx %arg12[%add3A_321, %broadcast_in_dim3A_367] : memref<512x16xf32, #tpu.memory_space<vmem>>[vector<16xi32>, vector<16xi32>], vector<16xf32>,
      %mul3A_370 = arith.mulf %gather3A_368, %gather3A_369 : vector<16xf32>
      %add3A_371 = arith.addf %add3A_361, %mul3A_370 : vector<16xf32>
      %mul3A_372 = arith.mulf %gather3A_368, %gather3A_368 : vector<16xf32>
      %add3A_373 = arith.addf %add3A_363, %mul3A_372 : vector<16xf32>
      %mul3A_374 = arith.mulf %gather3A_369, %gather3A_369 : vector<16xf32>
      %add3A_375 = arith.addf %add3A_365, %mul3A_374 : vector<16xf32>
      %broadcast_in_dim3A_376 = arith.constant 5 : i32
      %broadcast_in_dim3A_377 = vector.broadcast %broadcast_in_dim3A_376 : i32 to vector<16xi32>
      %gather3A_378 = tpu.vector_load_idx %arg11[%add3A_321, %broadcast_in_dim3A_377] : memref<512x16xf32, #tpu.memory_space<vmem>>[vector<16xi32>, vector<16xi32>], vector<16xf32>,
      %gather3A_379 = tpu.vector_load_idx %arg12[%add3A_321, %broadcast_in_dim3A_377] : memref<512x16xf32, #tpu.memory_space<vmem>>[vector<16xi32>, vector<16xi32>], vector<16xf32>,
      %mul3A_380 = arith.mulf %gather3A_378, %gather3A_379 : vector<16xf32>
      %add3A_381 = arith.addf %add3A_371, %mul3A_380 : vector<16xf32>
      %mul3A_382 = arith.mulf %gather3A_378, %gather3A_378 : vector<16xf32>
      %add3A_383 = arith.addf %add3A_373, %mul3A_382 : vector<16xf32>
      %mul3A_384 = arith.mulf %gather3A_379, %gather3A_379 : vector<16xf32>
      %add3A_385 = arith.addf %add3A_375, %mul3A_384 : vector<16xf32>
      %broadcast_in_dim3A_386 = arith.constant 6 : i32
      %broadcast_in_dim3A_387 = vector.broadcast %broadcast_in_dim3A_386 : i32 to vector<16xi32>
      %gather3A_388 = tpu.vector_load_idx %arg11[%add3A_321, %broadcast_in_dim3A_387] : memref<512x16xf32, #tpu.memory_space<vmem>>[vector<16xi32>, vector<16xi32>], vector<16xf32>,
      %gather3A_389 = tpu.vector_load_idx %arg12[%add3A_321, %broadcast_in_dim3A_387] : memref<512x16xf32, #tpu.memory_space<vmem>>[vector<16xi32>, vector<16xi32>], vector<16xf32>,
      %mul3A_390 = arith.mulf %gather3A_388, %gather3A_389 : vector<16xf32>
      %add3A_391 = arith.addf %add3A_381, %mul3A_390 : vector<16xf32>
      %mul3A_392 = arith.mulf %gather3A_388, %gather3A_388 : vector<16xf32>
      %add3A_393 = arith.addf %add3A_383, %mul3A_392 : vector<16xf32>
      %mul3A_394 = arith.mulf %gather3A_389, %gather3A_389 : vector<16xf32>
      %add3A_395 = arith.addf %add3A_385, %mul3A_394 : vector<16xf32>
      %broadcast_in_dim3A_396 = arith.constant 7 : i32
      %broadcast_in_dim3A_397 = vector.broadcast %broadcast_in_dim3A_396 : i32 to vector<16xi32>
      %gather3A_398 = tpu.vector_load_idx %arg11[%add3A_321, %broadcast_in_dim3A_397] : memref<512x16xf32, #tpu.memory_space<vmem>>[vector<16xi32>, vector<16xi32>], vector<16xf32>,
      %gather3A_399 = tpu.vector_load_idx %arg12[%add3A_321, %broadcast_in_dim3A_397] : memref<512x16xf32, #tpu.memory_space<vmem>>[vector<16xi32>, vector<16xi32>], vector<16xf32>,
      %mul3A_400 = arith.mulf %gather3A_398, %gather3A_399 : vector<16xf32>
      %add3A_401 = arith.addf %add3A_391, %mul3A_400 : vector<16xf32>
      %mul3A_402 = arith.mulf %gather3A_398, %gather3A_398 : vector<16xf32>
      %add3A_403 = arith.addf %add3A_393, %mul3A_402 : vector<16xf32>
      %mul3A_404 = arith.mulf %gather3A_399, %gather3A_399 : vector<16xf32>
      %add3A_405 = arith.addf %add3A_395, %mul3A_404 : vector<16xf32>
      %broadcast_in_dim3A_406 = arith.constant 8 : i32
      %broadcast_in_dim3A_407 = vector.broadcast %broadcast_in_dim3A_406 : i32 to vector<16xi32>
      %gather3A_408 = tpu.vector_load_idx %arg11[%add3A_321, %broadcast_in_dim3A_407] : memref<512x16xf32, #tpu.memory_space<vmem>>[vector<16xi32>, vector<16xi32>], vector<16xf32>,
      %gather3A_409 = tpu.vector_load_idx %arg12[%add3A_321, %broadcast_in_dim3A_407] : memref<512x16xf32, #tpu.memory_space<vmem>>[vector<16xi32>, vector<16xi32>], vector<16xf32>,
      %mul3A_410 = arith.mulf %gather3A_408, %gather3A_409 : vector<16xf32>
      %add3A_411 = arith.addf %add3A_401, %mul3A_410 : vector<16xf32>
      %mul3A_412 = arith.mulf %gather3A_408, %gather3A_408 : vector<16xf32>
      %add3A_413 = arith.addf %add3A_403, %mul3A_412 : vector<16xf32>
      %mul3A_414 = arith.mulf %gather3A_409, %gather3A_409 : vector<16xf32>
      %add3A_415 = arith.addf %add3A_405, %mul3A_414 : vector<16xf32>
      %broadcast_in_dim3A_416 = arith.constant 9 : i32
      %broadcast_in_dim3A_417 = vector.broadcast %broadcast_in_dim3A_416 : i32 to vector<16xi32>
      %gather3A_418 = tpu.vector_load_idx %arg11[%add3A_321, %broadcast_in_dim3A_417] : memref<512x16xf32, #tpu.memory_space<vmem>>[vector<16xi32>, vector<16xi32>], vector<16xf32>,
      %gather3A_419 = tpu.vector_load_idx %arg12[%add3A_321, %broadcast_in_dim3A_417] : memref<512x16xf32, #tpu.memory_space<vmem>>[vector<16xi32>, vector<16xi32>], vector<16xf32>,
      %mul3A_420 = arith.mulf %gather3A_418, %gather3A_419 : vector<16xf32>
      %add3A_421 = arith.addf %add3A_411, %mul3A_420 : vector<16xf32>
      %mul3A_422 = arith.mulf %gather3A_418, %gather3A_418 : vector<16xf32>
      %add3A_423 = arith.addf %add3A_413, %mul3A_422 : vector<16xf32>
      %mul3A_424 = arith.mulf %gather3A_419, %gather3A_419 : vector<16xf32>
      %add3A_425 = arith.addf %add3A_415, %mul3A_424 : vector<16xf32>
      %broadcast_in_dim3A_426 = arith.constant 10 : i32
      %broadcast_in_dim3A_427 = vector.broadcast %broadcast_in_dim3A_426 : i32 to vector<16xi32>
      %gather3A_428 = tpu.vector_load_idx %arg11[%add3A_321, %broadcast_in_dim3A_427] : memref<512x16xf32, #tpu.memory_space<vmem>>[vector<16xi32>, vector<16xi32>], vector<16xf32>,
      %gather3A_429 = tpu.vector_load_idx %arg12[%add3A_321, %broadcast_in_dim3A_427] : memref<512x16xf32, #tpu.memory_space<vmem>>[vector<16xi32>, vector<16xi32>], vector<16xf32>,
      %mul3A_430 = arith.mulf %gather3A_428, %gather3A_429 : vector<16xf32>
      %add3A_431 = arith.addf %add3A_421, %mul3A_430 : vector<16xf32>
      %mul3A_432 = arith.mulf %gather3A_428, %gather3A_428 : vector<16xf32>
      %add3A_433 = arith.addf %add3A_423, %mul3A_432 : vector<16xf32>
      %mul3A_434 = arith.mulf %gather3A_429, %gather3A_429 : vector<16xf32>
      %add3A_435 = arith.addf %add3A_425, %mul3A_434 : vector<16xf32>
      %broadcast_in_dim3A_436 = arith.constant 11 : i32
      %broadcast_in_dim3A_437 = vector.broadcast %broadcast_in_dim3A_436 : i32 to vector<16xi32>
      %gather3A_438 = tpu.vector_load_idx %arg11[%add3A_321, %broadcast_in_dim3A_437] : memref<512x16xf32, #tpu.memory_space<vmem>>[vector<16xi32>, vector<16xi32>], vector<16xf32>,
      %gather3A_439 = tpu.vector_load_idx %arg12[%add3A_321, %broadcast_in_dim3A_437] : memref<512x16xf32, #tpu.memory_space<vmem>>[vector<16xi32>, vector<16xi32>], vector<16xf32>,
      %mul3A_440 = arith.mulf %gather3A_438, %gather3A_439 : vector<16xf32>
      %add3A_441 = arith.addf %add3A_431, %mul3A_440 : vector<16xf32>
      %mul3A_442 = arith.mulf %gather3A_438, %gather3A_438 : vector<16xf32>
      %add3A_443 = arith.addf %add3A_433, %mul3A_442 : vector<16xf32>
      %mul3A_444 = arith.mulf %gather3A_439, %gather3A_439 : vector<16xf32>
      %add3A_445 = arith.addf %add3A_435, %mul3A_444 : vector<16xf32>
      %broadcast_in_dim3A_446 = arith.constant 12 : i32
      %broadcast_in_dim3A_447 = vector.broadcast %broadcast_in_dim3A_446 : i32 to vector<16xi32>
      %gather3A_448 = tpu.vector_load_idx %arg11[%add3A_321, %broadcast_in_dim3A_447] : memref<512x16xf32, #tpu.memory_space<vmem>>[vector<16xi32>, vector<16xi32>], vector<16xf32>,
      %gather3A_449 = tpu.vector_load_idx %arg12[%add3A_321, %broadcast_in_dim3A_447] : memref<512x16xf32, #tpu.memory_space<vmem>>[vector<16xi32>, vector<16xi32>], vector<16xf32>,
      %mul3A_450 = arith.mulf %gather3A_448, %gather3A_449 : vector<16xf32>
      %add3A_451 = arith.addf %add3A_441, %mul3A_450 : vector<16xf32>
      %mul3A_452 = arith.mulf %gather3A_448, %gather3A_448 : vector<16xf32>
      %add3A_453 = arith.addf %add3A_443, %mul3A_452 : vector<16xf32>
      %mul3A_454 = arith.mulf %gather3A_449, %gather3A_449 : vector<16xf32>
      %add3A_455 = arith.addf %add3A_445, %mul3A_454 : vector<16xf32>
      %broadcast_in_dim3A_456 = arith.constant 13 : i32
      %broadcast_in_dim3A_457 = vector.broadcast %broadcast_in_dim3A_456 : i32 to vector<16xi32>
      %gather3A_458 = tpu.vector_load_idx %arg11[%add3A_321, %broadcast_in_dim3A_457] : memref<512x16xf32, #tpu.memory_space<vmem>>[vector<16xi32>, vector<16xi32>], vector<16xf32>,
      %gather3A_459 = tpu.vector_load_idx %arg12[%add3A_321, %broadcast_in_dim3A_457] : memref<512x16xf32, #tpu.memory_space<vmem>>[vector<16xi32>, vector<16xi32>], vector<16xf32>,
      %mul3A_460 = arith.mulf %gather3A_458, %gather3A_459 : vector<16xf32>
      %add3A_461 = arith.addf %add3A_451, %mul3A_460 : vector<16xf32>
      %mul3A_462 = arith.mulf %gather3A_458, %gather3A_458 : vector<16xf32>
      %add3A_463 = arith.addf %add3A_453, %mul3A_462 : vector<16xf32>
      %mul3A_464 = arith.mulf %gather3A_459, %gather3A_459 : vector<16xf32>
      %add3A_465 = arith.addf %add3A_455, %mul3A_464 : vector<16xf32>
      %broadcast_in_dim3A_466 = arith.constant 14 : i32
      %broadcast_in_dim3A_467 = vector.broadcast %broadcast_in_dim3A_466 : i32 to vector<16xi32>
      %gather3A_468 = tpu.vector_load_idx %arg11[%add3A_321, %broadcast_in_dim3A_467] : memref<512x16xf32, #tpu.memory_space<vmem>>[vector<16xi32>, vector<16xi32>], vector<16xf32>,
      %gather3A_469 = tpu.vector_load_idx %arg12[%add3A_321, %broadcast_in_dim3A_467] : memref<512x16xf32, #tpu.memory_space<vmem>>[vector<16xi32>, vector<16xi32>], vector<16xf32>,
      %mul3A_470 = arith.mulf %gather3A_468, %gather3A_469 : vector<16xf32>
      %add3A_471 = arith.addf %add3A_461, %mul3A_470 : vector<16xf32>
      %mul3A_472 = arith.mulf %gather3A_468, %gather3A_468 : vector<16xf32>
      %add3A_473 = arith.addf %add3A_463, %mul3A_472 : vector<16xf32>
      %mul3A_474 = arith.mulf %gather3A_469, %gather3A_469 : vector<16xf32>
      %add3A_475 = arith.addf %add3A_465, %mul3A_474 : vector<16xf32>
      %broadcast_in_dim3A_476 = arith.constant 15 : i32
      %broadcast_in_dim3A_477 = vector.broadcast %broadcast_in_dim3A_476 : i32 to vector<16xi32>
      %gather3A_478 = tpu.vector_load_idx %arg11[%add3A_321, %broadcast_in_dim3A_477] : memref<512x16xf32, #tpu.memory_space<vmem>>[vector<16xi32>, vector<16xi32>], vector<16xf32>,
      %gather3A_479 = tpu.vector_load_idx %arg12[%add3A_321, %broadcast_in_dim3A_477] : memref<512x16xf32, #tpu.memory_space<vmem>>[vector<16xi32>, vector<16xi32>], vector<16xf32>,
      %mul3A_480 = arith.mulf %gather3A_478, %gather3A_479 : vector<16xf32>
      %add3A_481 = arith.addf %add3A_471, %mul3A_480 : vector<16xf32>
      %mul3A_482 = arith.mulf %gather3A_478, %gather3A_478 : vector<16xf32>
      %add3A_483 = arith.addf %add3A_473, %mul3A_482 : vector<16xf32>
      %mul3A_484 = arith.mulf %gather3A_479, %gather3A_479 : vector<16xf32>
      %add3A_485 = arith.addf %add3A_475, %mul3A_484 : vector<16xf32>
      %max3A = arith.constant 1.000000e-30 : f32
      %max3A_486 = vector.broadcast %max3A : f32 to vector<16xf32>
      %max3A_487 = arith.maximumf %add3A_483, %max3A_486 : vector<16xf32>
      %max3A_488 = arith.constant 1.000000e-30 : f32
      %max3A_489 = vector.broadcast %max3A_488 : f32 to vector<16xf32>
      %max3A_490 = arith.maximumf %add3A_485, %max3A_489 : vector<16xf32>
      %bitcast3A = vector.bitcast %max3A_487 : vector<16xf32> to vector<16xi32>
      %shift_right_arithmetic3A = arith.constant 1 : i32
      %shift_right_arithmetic3A_491 = vector.broadcast %shift_right_arithmetic3A : i32 to vector<16xi32>
      %shift_right_arithmetic3A_492 = arith.shrsi %bitcast3A, %shift_right_arithmetic3A_491 : vector<16xi32>
      %sub3A = arith.constant 1597463007 : i32
      %sub3A_493 = vector.broadcast %sub3A : i32 to vector<16xi32>
      %sub3A_494 = arith.subi %sub3A_493, %shift_right_arithmetic3A_492 : vector<16xi32>
      %bitcast3A_495 = vector.bitcast %sub3A_494 : vector<16xi32> to vector<16xf32>
      %mul3A_496 = arith.constant 5.000000e-01 : f32
      %mul3A_497 = vector.broadcast %mul3A_496 : f32 to vector<16xf32>
      %mul3A_498 = arith.mulf %mul3A_497, %max3A_487 : vector<16xf32>
      %mul3A_499 = arith.mulf %mul3A_498, %bitcast3A_495 : vector<16xf32>
      %mul3A_500 = arith.mulf %mul3A_499, %bitcast3A_495 : vector<16xf32>
      %sub3A_501 = arith.constant 1.500000e+00 : f32
      %sub3A_502 = vector.broadcast %sub3A_501 : f32 to vector<16xf32>
      %sub3A_503 = arith.subf %sub3A_502, %mul3A_500 : vector<16xf32>
      %mul3A_504 = arith.mulf %bitcast3A_495, %sub3A_503 : vector<16xf32>
      %mul3A_505 = arith.constant 5.000000e-01 : f32
      %mul3A_506 = vector.broadcast %mul3A_505 : f32 to vector<16xf32>
      %mul3A_507 = arith.mulf %mul3A_506, %max3A_487 : vector<16xf32>
      %mul3A_508 = arith.mulf %mul3A_507, %mul3A_504 : vector<16xf32>
      %mul3A_509 = arith.mulf %mul3A_508, %mul3A_504 : vector<16xf32>
      %sub3A_510 = arith.constant 1.500000e+00 : f32
      %sub3A_511 = vector.broadcast %sub3A_510 : f32 to vector<16xf32>
      %sub3A_512 = arith.subf %sub3A_511, %mul3A_509 : vector<16xf32>
      %mul3A_513 = arith.mulf %mul3A_504, %sub3A_512 : vector<16xf32>
      %mul3A_514 = arith.constant 5.000000e-01 : f32
      %mul3A_515 = vector.broadcast %mul3A_514 : f32 to vector<16xf32>
      %mul3A_516 = arith.mulf %mul3A_515, %max3A_487 : vector<16xf32>
      %mul3A_517 = arith.mulf %mul3A_516, %mul3A_513 : vector<16xf32>
      %mul3A_518 = arith.mulf %mul3A_517, %mul3A_513 : vector<16xf32>
      %sub3A_519 = arith.constant 1.500000e+00 : f32
      %sub3A_520 = vector.broadcast %sub3A_519 : f32 to vector<16xf32>
      %sub3A_521 = arith.subf %sub3A_520, %mul3A_518 : vector<16xf32>
      %mul3A_522 = arith.mulf %mul3A_513, %sub3A_521 : vector<16xf32>
      %mul3A_523 = arith.mulf %max3A_487, %mul3A_522 : vector<16xf32>
      %max3A_524 = arith.constant 9.99999993E-9 : f32
      %max3A_525 = vector.broadcast %max3A_524 : f32 to vector<16xf32>
      %max3A_526 = arith.maximumf %mul3A_523, %max3A_525 : vector<16xf32>
      %bitcast3A_527 = vector.bitcast %max3A_490 : vector<16xf32> to vector<16xi32>
      %shift_right_arithmetic3A_528 = arith.constant 1 : i32
      %shift_right_arithmetic3A_529 = vector.broadcast %shift_right_arithmetic3A_528 : i32 to vector<16xi32>
      %shift_right_arithmetic3A_530 = arith.shrsi %bitcast3A_527, %shift_right_arithmetic3A_529 : vector<16xi32>
      %sub3A_531 = arith.constant 1597463007 : i32
      %sub3A_532 = vector.broadcast %sub3A_531 : i32 to vector<16xi32>
      %sub3A_533 = arith.subi %sub3A_532, %shift_right_arithmetic3A_530 : vector<16xi32>
      %bitcast3A_534 = vector.bitcast %sub3A_533 : vector<16xi32> to vector<16xf32>
      %mul3A_535 = arith.constant 5.000000e-01 : f32
      %mul3A_536 = vector.broadcast %mul3A_535 : f32 to vector<16xf32>
      %mul3A_537 = arith.mulf %mul3A_536, %max3A_490 : vector<16xf32>
      %mul3A_538 = arith.mulf %mul3A_537, %bitcast3A_534 : vector<16xf32>
      %mul3A_539 = arith.mulf %mul3A_538, %bitcast3A_534 : vector<16xf32>
      %sub3A_540 = arith.constant 1.500000e+00 : f32
      %sub3A_541 = vector.broadcast %sub3A_540 : f32 to vector<16xf32>
      %sub3A_542 = arith.subf %sub3A_541, %mul3A_539 : vector<16xf32>
      %mul3A_543 = arith.mulf %bitcast3A_534, %sub3A_542 : vector<16xf32>
      %mul3A_544 = arith.constant 5.000000e-01 : f32
      %mul3A_545 = vector.broadcast %mul3A_544 : f32 to vector<16xf32>
      %mul3A_546 = arith.mulf %mul3A_545, %max3A_490 : vector<16xf32>
      %mul3A_547 = arith.mulf %mul3A_546, %mul3A_543 : vector<16xf32>
      %mul3A_548 = arith.mulf %mul3A_547, %mul3A_543 : vector<16xf32>
      %sub3A_549 = arith.constant 1.500000e+00 : f32
      %sub3A_550 = vector.broadcast %sub3A_549 : f32 to vector<16xf32>
      %sub3A_551 = arith.subf %sub3A_550, %mul3A_548 : vector<16xf32>
      %mul3A_552 = arith.mulf %mul3A_543, %sub3A_551 : vector<16xf32>
      %mul3A_553 = arith.constant 5.000000e-01 : f32
      %mul3A_554 = vector.broadcast %mul3A_553 : f32 to vector<16xf32>
      %mul3A_555 = arith.mulf %mul3A_554, %max3A_490 : vector<16xf32>
      %mul3A_556 = arith.mulf %mul3A_555, %mul3A_552 : vector<16xf32>
      %mul3A_557 = arith.mulf %mul3A_556, %mul3A_552 : vector<16xf32>
      %sub3A_558 = arith.constant 1.500000e+00 : f32
      %sub3A_559 = vector.broadcast %sub3A_558 : f32 to vector<16xf32>
      %sub3A_560 = arith.subf %sub3A_559, %mul3A_557 : vector<16xf32>
      %mul3A_561 = arith.mulf %mul3A_552, %sub3A_560 : vector<16xf32>
      %mul3A_562 = arith.mulf %max3A_490, %mul3A_561 : vector<16xf32>
      %max3A_563 = arith.constant 9.99999993E-9 : f32
      %max3A_564 = vector.broadcast %max3A_563 : f32 to vector<16xf32>
      %max3A_565 = arith.maximumf %mul3A_562, %max3A_564 : vector<16xf32>
      %mul3A_566 = arith.mulf %max3A_526, %max3A_565 : vector<16xf32>
      %div3A = arith.divf %add3A_481, %mul3A_566 : vector<16xf32>
      %mul3A_567 = arith.constant 2.500000e+00 : f32
      %mul3A_568 = vector.broadcast %mul3A_567 : f32 to vector<16xf32>
      %mul3A_569 = arith.mulf %div3A, %mul3A_568 : vector<16xf32>
      %add3A_570 = arith.constant 2.750000e+00 : f32
      %add3A_571 = vector.broadcast %add3A_570 : f32 to vector<16xf32>
      %add3A_572 = arith.addf %mul3A_569, %add3A_571 : vector<16xf32>
      %mul3A_573 = arith.constant 16 : i32
      %mul3A_574 = arith.muli %scan3A_317, %mul3A_573 : i32
      %get3A = arith.index_cast %mul3A_574 : i32 to index
      %get3A_575 = tpu.vector_load %arg13[%get3A] {strides = array<i32>} : memref<512xf32, #tpu.memory_space<vmem>>, vector<16xf32>,
      %add3A_576 = arith.addf %add3A_572, %get3A_575 : vector<16xf32>
      %get3A_577 = arith.index_cast %mul3A_574 : i32 to index
      %get3A_578 = tpu.vector_load %arg14[%get3A_577] {strides = array<i32>} : memref<512xf32, #tpu.memory_space<vmem>>, vector<16xf32>,
      %add3A_579 = arith.addf %add3A_576, %get3A_578 : vector<16xf32>
      %swap3A = arith.index_cast %mul3A_574 : i32 to index
      %swap3A_580 = tpu.vector_load %arg15[%swap3A] {strides = array<i32>} : memref<512xf32, #tpu.memory_space<vmem>>, vector<16xf32>,
      tpu.vector_store %arg15[%swap3A], %add3A_579 {strides = array<i32>} : memref<512xf32, #tpu.memory_space<vmem>>, vector<16xf32>,
    }
    %scan3A_316 = arith.constant 32 : i32
    "tpu.region"() ({
      %run_scoped3A_317 = tpu.sem_alloc : memref<!tpu.dma_semaphore, #tpu.memory_space<semaphore_mem>>
      %dma_start3A_318 = tpu.memref_slice %arg8[%mul3A_2] : memref<16384xf32, #tpu.memory_space<hbm>> -> memref<512xf32, #tpu.memory_space<hbm>>
      %dma_start3A_319 = tpu.memref_slice %arg8[%mul3A_2] : memref<16384xf32, #tpu.memory_space<hbm>> -> memref<512xf32, #tpu.memory_space<hbm>>
      tpu.enqueue_dma source(%arg15 : memref<512xf32, #tpu.memory_space<vmem>>) target(%dma_start3A_319 : memref<512xf32, #tpu.memory_space<hbm>>) target_semaphore(%run_scoped3A_317 : memref<!tpu.dma_semaphore, #tpu.memory_space<semaphore_mem>>)
      %dma_wait3A_320 = tpu.memref_slice %arg8[%mul3A_2] : memref<16384xf32, #tpu.memory_space<hbm>> -> memref<512xf32, #tpu.memory_space<hbm>>
      %dma_wait3A_321 = tpu.memref_slice %arg8[%mul3A_2] : memref<16384xf32, #tpu.memory_space<hbm>> -> memref<512xf32, #tpu.memory_space<hbm>>
      tpu.wait_dma2 semaphore(%run_scoped3A_317 : memref<!tpu.dma_semaphore, #tpu.memory_space<semaphore_mem>>) src(%arg15 : memref<512xf32, #tpu.memory_space<vmem>>) dst(%dma_wait3A_321 : memref<512xf32, #tpu.memory_space<hbm>>)
      tpu.yield
    }) : () -> ()
    return
  }
}

</mosaic_0001>

<sc_bundles>
// kernel: kernel.3.cloned.1.call-start
scs
__scs_entry_jumppad:
0x0: {  	(pc) =	sbr.rel $0x88, $3  }
0x1: {  	(tag) =	ssettag $0x0;
	lr =	simm.s32 $0x1  }
0x2: {  	[smem:$0x3F9B] =	sst lr;
	_ =	strace $0xD0000000  }
0x3: {  	_ = 	snop  }
0x4: {  	_ = 	snop  }
0x5: {  	_ = 	snop  }
0x6: {  	_ = 	snop  }
0x7: {  	_ = 	snop  }
__scs_overlays_trampoline_lowered:
0x8: {  	[smem:$0x3FAA] =	sst s0  }
0x9: {  	[smem:$0x3FAB] =	sst s1  }
0xa: {  	[smem:$0x3FAC] =	sst s2  }
0xb: {  	[smem:$0x3FAD] =	sst s3  }
0xc: {  	[smem:$0x3FAE] =	sst s4  }
0xd: {  	[smem:$0x3FAF] =	sst s5  }
0xe: {  	[smem:$0x3FB0] =	sst s6  }
0xf: {  	[smem:$0x3FB1] =	sst s7  }
0x10: {  	[smem:$0x3FB2] =	sst s8  }
0x11: {  	[smem:$0x3FB3] =	sst s9;
	s0 =	simm.s32 @!p0 $0x0  }
0x12: {  	s1 =	sld [smem:$0x3F99];
	s0 =	simm.s32 @p0 $0x1  }
0x13: {  	[smem:$0x3FB4] =	sst s0;
	s0 =	simm.s32 @!p1 $0x0  }
0x14: {  	s2 =	sld [smem:$0x3F98];
	s0 =	simm.s32 @p1 $0x1  }
0x15: {  	[smem:$0x3FB5] =	sst s0;
	s0 =	simm.s32 @!p2 $0x0  }
0x16: {  	s3 =	sld [smem:$0x3FDB];
	s0 =	simm.s32 @p2 $0x1  }
0x17: {  	s4 =	simm.s32 $0x1BF5;
	[smem:$0x3FB7] =	sst s0  }
0x18: {  	s0 =	sld [smem:$0x3F9A];
	_ =	swait.ge [sflag:s4], $0x0  }
0x19: {  	s7 =	sld [smem:$0x3F9B]  }
0x1a: {  	s8 =	sadd.s32 $0xFFFFE003, lr  }
0x1b: {  	s9 =	sadd.s32 $0xFFFFFEF7, lr;
	s5 =	simm.s32 $0xFFFFFFFF;
	p2 =	slt.u32 s8, $0xFFFFF086  }
0x1c: {  	p1 =	slt.u32 s9, $0xF7A;
	s5 =	simm.s32 @!p2 $0x0  }
0x1d: {  	s5 =	simm.s32 @p1 $0x1;
	p0 =	seq.s32 s7, s2  }
0x1e: {  	s7 =	smul.u32 @!p0 $0xF7A, s2;
	p2 =	seq.s32 @!p0 s5, $0x0  }
0x1f: {  	s9 =	smul.u32 $0xF7A, s1;
	s8 =	simm.s32 @!p0 $0x1BF5;
	p2 =	por !p2, p0  }
0x20: {  	[sflag:s8] =	ssyncset.s32 @!p0 $0xFFFFF086;
	s6 =	sadd.s32 @!p0 s3, s7;
	s7 =	simm.s32 @!p0 $0x108  }
0x21: {  	s3 =	sadd.s32 s3, s9;
	s6 =	sadd.s32 @!p0 $0x88, s6;
	s7 =	simm.s32 @p2 $0x1082  }
0x22: {  	[simem:s7], [sflag:s8] =	dma.local @!p0 [hbm:s6], $0xF7A  }
0x23: {  	s9 =	sor.u32 $0xD0000000, s2;
	s6 =	simm.s32 $0x108;
	_ =	swait.ge @!p0 [sflag:s8], $0x0  }
0x24: {  	s3 =	sadd.s32 $0x88, s3;
	s6 =	simm.s32 @!p1 $0x1082;
	[sflag:s4] =	ssyncset.s32 $0xFFFFF086  }
0x25: {  	[simem:s6], [sflag:s4] =	dma.local [hbm:s3], $0xF7A  }
0x26: {  	[smem:$0x3F9B] =	sst s1;
	(tag) =	ssettag s2;
	_ =	strace s9  }
0x27: {  	s1 =	sld [smem:$0x3FAB]  }
0x28: {  	s2 =	sld [smem:$0x3FAC]  }
0x29: {  	s4 =	sld [smem:$0x3FAE]  }
0x2a: {  	p0 =	seq.s32 s5, $0x0;
	s5 =	sld [smem:$0x3FAF]  }
0x2b: {  	s6 =	sld [smem:$0x3FB0]  }
0x2c: {  	s7 =	sld [smem:$0x3FB1]  }
0x2d: {  	s3 =	simm.s32 $0x108;
	s8 =	sld [smem:$0x3FB2]  }
0x2e: {  	s3 =	simm.s32 @!p0 $0x1082;
	s9 =	sld [smem:$0x3FB3]  }
0x2f: {  	lr =	sadd.s32 s0, s3;
	s0 =	sld [smem:$0x3FAA]  }
0x30: {  	s3 =	sld [smem:$0x3FAD]  }
0x31: {  	[smem:$0x3FB6] =	sst s10  }
0x32: {  	s10 =	sld [smem:$0x3FB4];
	_ =	sdelay $0x3  }
0x33: {  	p0 =	seq.s32 s10, $0x1;
	s10 =	sld [smem:$0x3FB6];
	_ =	sdelay $0x3  }
0x34: {  	[smem:$0x3FB6] =	sst s10  }
0x35: {  	s10 =	sld [smem:$0x3FB5];
	_ =	sdelay $0x3  }
0x36: {  	p1 =	seq.s32 s10, $0x1;
	s10 =	sld [smem:$0x3FB6];
	_ =	sdelay $0x3  }
0x37: {  	[smem:$0x3FB6] =	sst s10  }
0x38: {  	s10 =	sld [smem:$0x3FB7]  }
0x39: {  	_ = 	snop;
	(pc) =	sbr.ind lr, $3  }
0x3a: {  	_ = 	snop  }
0x3b: {  	_ = 	snop  }
0x3c: {  	p2 =	seq.s32 s10, $0x1;
	s10 =	sld [smem:$0x3FB6]  }
0x3d: {  	_ =	shalt  }
0x3e: {  	_ =	shalt  }
0x3f: {  	_ =	shalt  }
0x40: {  	_ =	shalt  }
0x41: {  	_ =	shalt  }
0x42: {  	_ =	shalt  }
0x43: {  	_ =	shalt  }
0x44: {  	_ =	shalt  }
0x45: {  	_ =	shalt  }
0x46: {  	_ =	shalt  }
0x47: {  	_ =	shalt  }
0x48: {  	_ =	shalt  }
0x49: {  	_ =	shalt  }
0x4a: {  	_ =	shalt  }
0x4b: {  	_ =	shalt  }
0x4c: {  	_ =	shalt  }
0x4d: {  	_ =	shalt  }
0x4e: {  	_ =	shalt  }
0x4f: {  	_ =	shalt  }
0x50: {  	_ =	shalt  }
0x51: {  	_ =	shalt  }
0x52: {  	_ =	shalt  }
0x53: {  	_ =	shalt  }
0x54: {  	_ =	shalt  }
0x55: {  	_ =	shalt  }
0x56: {  	_ =	shalt  }
0x57: {  	_ =	shalt  }
0x58: {  	_ =	shalt  }
0x59: {  	_ =	shalt  }
0x5a: {  	_ =	shalt  }
0x5b: {  	_ =	shalt  }
0x5c: {  	_ =	shalt  }
0x5d: {  	_ =	shalt  }
0x5e: {  	_ =	shalt  }
0x5f: {  	_ =	shalt  }
0x60: {  	_ =	shalt  }
0x61: {  	_ =	shalt  }
0x62: {  	_ =	shalt  }
0x63: {  	_ =	shalt  }
0x64: {  	_ =	shalt  }
0x65: {  	_ =	shalt  }
0x66: {  	_ =	shalt  }
0x67: {  	_ =	shalt  }
0x68: {  	_ =	shalt  }
0x69: {  	_ =	shalt  }
0x6a: {  	_ =	shalt  }
0x6b: {  	_ =	shalt  }
0x6c: {  	_ =	shalt  }
0x6d: {  	_ =	shalt  }
0x6e: {  	_ =	shalt  }
0x6f: {  	_ =	shalt  }
0x70: {  	_ =	shalt  }
0x71: {  	_ =	shalt  }
0x72: {  	_ =	shalt  }
0x73: {  	_ =	shalt  }
0x74: {  	_ =	shalt  }
0x75: {  	_ =	shalt  }
0x76: {  	_ =	shalt  }
0x77: {  	_ =	shalt  }
0x78: {  	_ =	shalt  }
0x79: {  	_ =	shalt  }
0x7a: {  	_ =	shalt  }
0x7b: {  	_ =	shalt  }
0x7c: {  	_ =	shalt  }
0x7d: {  	_ =	shalt  }
0x7e: {  	_ =	shalt  }
0x7f: {  	_ =	shalt  }
0x80: {  	_ =	shalt  }
0x81: {  	_ =	shalt  }
0x82: {  	_ =	shalt  }
0x83: {  	_ =	shalt  }
0x84: {  	_ =	shalt  }
0x85: {  	_ =	shalt  }
0x86: {  	_ =	shalt  }
0x87: {  	_ =	shalt  }
.Lfunc_end0:
.L_simem_size_0:
called_computation_lowered:
.L_overlay_start_0:
0x88: {  	s2 =	sld [smem:$0x3FD9]  }
0x89: {  	s3 =	sld [smem:$0x3FFE];
	_ =	sdelay $0x1  }
0x8a: {  	s1 =	srdreg.scid  }
0x8b: {  	s0 =	sand.u32 $0x1, s1  }
0x8c: {  	s17 =	sshll.u32 s0, $0xA;
	s2 =	sadd.s32 s3, s2  }
0x8d: {  	s2 =	sadd.s32 s2, s17  }
0x8e: {  	[smem:$0x3FC2] =	sst s2  }
0x8f: {  	_ = 	snop  }
0x90: {  	s2 =	sld [smem:$0x3FC9]  }
0x91: {  	s18 =	sld [smem:$0x3FC8]  }
0x92: {  	s4 =	sld [smem:$0x3FD0];
	(tm) =	ssettm $0x1  }
0x93: {  	s5 =	sld [smem:$0x3FFB];
	_ =	sdelay $0x3  }
0x94: {  	_ =	strace s5  }
0x95: {  	s5 =	sld [smem:$0x3FFC];
	_ =	sdelay $0x3  }
0x96: {  	_ =	strace s5  }
0x97: {  	s5 =	sld [smem:$0x3FFD];
	_ =	sdelay $0x3  }
0x98: {  	_ =	strace s5  }
0x99: {  	_ =	strace $0x8FFFFFFF  }
0x9a: {  	s19 =	sld [smem:$0x3FDB];
	_ =	sdelay $0x1  }
0x9b: {  	s6 =	simm.s32 $_scs_section_size  }
0x9c: {  	s7 =	simm.s32 $_size__tile_overlayer_lowered;
	s8 =	simm.s32 $_tile_overlayer_lowered  }
0x9d: {  	s22 =	simm.s32 $0x1BFF;
	s21 =	sshll.u32 s8, $0x1;
	s5 =	sadd.s32 s6, s19  }
0x9e: {  	s9 =	simm.s32 $0x0;
	s20 =	sshll.u32 s7, $0x1;
	s7 =	sadd.s32 s21, s5  }
0x9f: {  	[timem:s9], [sflag:s22] =	dma.local [hbm:s7], s20  }
0xa0: {  	_ =	swait.ge [sflag:s22], s20  }
0xa1: {  	s6 =	ssub.s32 $0x0, s20;
	[sflag:s22] =	ssyncset.done $0x0  }
0xa2: {  	[sflag:s22] =	ssyncadd.s32 s6;
	_ =	sdelay $0x1  }
0xa3: {  	s23 =	simm.s32 $0x1B8B  }
0xa4: {  	_ =	swait.ge [sflag:s23], $0x1  }
0xa5: {  	[sflag:s23] =	ssyncset.done $0x0  }
0xa6: {  	s25 =	simm.s32 $0x1B8E;
	s24 =	sld [smem:$0x3FFE];
	[sflag:s23] =	ssyncadd.s32 $0xFFFFFFFF  }
0xa7: {  	s26 =	simm.s32 $execute0_lowered;
	[smem:$0x3FD2] =	sst s25  }
0xa8: {  	s7 =	sshll.u32 s26, $0x1;
	_ =	strace $0x80000046;
	[dreg:$0x1] =	wrdreg $0xFFFFFFFF  }
0xa9: {  	s28 =	simm.s32 $_size_execute0_lowered;
	s5 =	sadd.s32 s5, s7;
	[dreg:$0x0] =	wrdreg $0x0  }
0xaa: {  	s7 =	sshll.u32 s28, $0x1;
	[dreg:$0x2] =	wrdreg s5  }
0xab: {  	[dreg:$0x3] =	wrdreg s7  }
0xac: {  	[dreg:$0x4] =	wrdreg $0xC0  }
0xad: {  	_ =	task [dreg:s9], $0x5FFFF  }
0xae: {  	[dreg:$0x1] =	wrdreg $0xFFFFFFFF  }
0xaf: {  	[dreg:$0x0] =	wrdreg $0x60  }
0xb0: {  	[dreg:$0x2] =	wrdreg s2  }
0xb1: {  	[dreg:$0x3] =	wrdreg s18  }
0xb2: {  	[dreg:$0x4] =	wrdreg s24  }
0xb3: {  	[dreg:$0x5] =	wrdreg s4  }
0xb4: {  	[dreg:$0x6] =	wrdreg $0x9  }
0xb5: {  	_ =	task.clear_ibuf [dreg:s9], $0x7FFFF;
	_ =	strace $0x90000046  }
0xb6: {  	s29 =	simm.s32 $0x9;
	_ =	strace $0x80000048  }
0xb7: {  	_ =	swait.ge [sflag:s29], $0x1  }
0xb8: {  	[sflag:s29] =	ssyncadd.s32 $0xFFFFFFFF  }
0xb9: {  	_ =	strace $0x90000048  }
0xba: {  	_ =	sfence  }
0xbb: {  	s30 =	sld [smem:$0x0];
	_ =	sdelay $0x2  }
0xbc: {  	s31 =	sshll.u32 s1, $0xD;
	s1 =	sshrl.u32 s1, $0x2  }
0xbd: {  	s3 =	sand.u32 $0x4000, s31;
	s1 =	sadd.s32 s1, s30  }
0xbe: {  	s0 =	sor.u32 s3, s0;
	s1 =	sshll.u32 s1, $0x11  }
0xbf: {  	s0 =	sor.u32 s1, s0  }
0xc0: {  	s0 =	sadd.s32 $0x8F2B, s0  }
0xc1: {  	[sflag:s0] =	ssyncadd.remote.s32 $0x1  }
0xc2: {  	_ =	sfence.sel $0xFFFF  }
0xc3: {  	[dreg:$0x0] =	wrdreg $0xFFFFFFFF;
	(pc) =	sbr.abs _section_cstart, $3  }
0xc4: {  	[dreg:$0x1] =	wrdreg $0xFFFFFFFF  }
0xc5: {  	_ =	task.clear_ibuf [dreg:s9], $0x2FFFF;
	_ =	strace $0x9FFFFFFF  }
0xc6: {  	(tm) =	ssettm $0x7FFFFFFF  }
0xc7: {  	_ =	shalt  }
tec
execute0_lowered:
.L_overlay_start_1:
0x0: {  	(tag) =	ssettag $0x1  }
0x1: {  	s0 =	rddreg [dreg:$0x0]  }
0x2: {  	s3 =	rddreg [dreg:$0x1]  }
0x3: {  	s1 =	rddreg [dreg:$0x2]  }
0x4: {  	s7 =	rddreg [dreg:$0x3]  }
0x5: {  	s2 =	simm.s32 $0x0;
	s6 =	srdreg.scid;
	s9 =	stileid.u32  }
0x6: {  	s17 =	simm.s32 $0x2;
	s18 =	simm.s32 $0x200;
	s19 =	simm.s32 $0x80  }
0x7: {  	s20 =	simm.s32 $0x280;
	s21 =	simm.s32 $0x100;
	s22 =	simm.s32 $0x300  }
0x8: {  	s23 =	simm.s32 $0x180;
	s24 =	simm.s32 $0x380;
	s25 =	simm.s32 $0x400  }
0x9: {  	s26 =	simm.s32 $0x2400;
	s28 =	simm.s32 $0x1;
	s29 =	simm.s32 $0x4800  }
0xa: {  	s30 =	simm.s32 $0x0;
	[smem:$0x7FF] =	sst s2;
	s4 =	sadd.s32 $0xF42400, s1  }
0xb: {  	s5 =	sadd.s32 $0x186A00, s1;
	s6 =	sand.u32 $0x1, s6;
	s9 =	sshll.u32 s9, $0x7  }
0xc: {  	_ =	strace $0x80000047;
	s8 =	ssub.s32 $0x2, s6;
	s10 =	sshll.u32 s6, $0x6  }
0xd: {  	s6 =	sadd.s32 $0x1EA00, s1;
	s11 =	sshrl.u32 s8, $0x1;
	s15 =	sor.u32 s10, s9  }
0xe: {  	s16 =	ssub.s32 s8, s11;
	s31 =	sadd.s32 s0, s15;
	s10 =	sor.u32 $0x10, s15  }
0xf: {  	s8 =	sadd.s32 s3, s15;
	s12 =	sor.u32 $0x20, s15;
	s14 =	sor.u32 $0x30, s15  }
0x10: {  	s15 =	sadd.s32 s7, s15;
	[dreg:$0x5] =	wrdreg s31;
	s9 =	sadd.s32 s0, s10  }
0x11: {  	v0 =	vlaneseq.u32;
	s10 =	sadd.s32 s3, s10;
	s11 =	sadd.s32 s0, s12;
	s12 =	sadd.s32 s3, s12  }
0x12: {  	v0 =	vmul.u32 $0x10, v0;
	s13 =	sadd.s32 s0, s14;
	s14 =	sadd.s32 s3, s14;
	s16 =	smax.u32 s16, $0x1  }
.LBB2_1:
0x13: {  	s0 =	rddreg [dreg:$0x5]  }
0x14: {  	[tilespmem:s2], [sflag:$0x2] =	stream.linear.gather [hbm4b:s0+s2], $0x80, $0x38;
	[tilespmem:$0x4A00] =	vst v63  }
0x15: {  	_ =	swait.ge [sflag:s17], $0x80  }
0x16: {  	[sflag:s17] =	ssyncset.done $0x0  }
0x17: {  	[sflag:s17] =	ssyncadd.s32 $0xFFFFFF80  }
0x18: {  	[tilespmem:s18], [sflag:$0x2] =	stream.linear.gather [hbm4b:s8+s2], $0x80, $0x38;
	[tilespmem:$0x4A00] =	vst v63  }
0x19: {  	_ =	swait.ge [sflag:s17], $0x80  }
0x1a: {  	[sflag:s17] =	ssyncset.done $0x0  }
0x1b: {  	[sflag:s17] =	ssyncadd.s32 $0xFFFFFF80  }
0x1c: {  	[tilespmem:s19], [sflag:$0x2] =	stream.linear.gather [hbm4b:s9+s2], $0x80, $0x38;
	[tilespmem:$0x4A00] =	vst v63  }
0x1d: {  	_ =	swait.ge [sflag:s17], $0x80  }
0x1e: {  	[sflag:s17] =	ssyncset.done $0x0  }
0x1f: {  	[sflag:s17] =	ssyncadd.s32 $0xFFFFFF80  }
0x20: {  	[tilespmem:s20], [sflag:$0x2] =	stream.linear.gather [hbm4b:s10+s2], $0x80, $0x38;
	[tilespmem:$0x4A00] =	vst v63  }
0x21: {  	_ =	swait.ge [sflag:s17], $0x80  }
0x22: {  	[sflag:s17] =	ssyncset.done $0x0  }
0x23: {  	[sflag:s17] =	ssyncadd.s32 $0xFFFFFF80  }
0x24: {  	[tilespmem:s21], [sflag:$0x2] =	stream.linear.gather [hbm4b:s11+s2], $0x80, $0x38;
	[tilespmem:$0x4A00] =	vst v63  }
0x25: {  	_ =	swait.ge [sflag:s17], $0x80  }
0x26: {  	[sflag:s17] =	ssyncset.done $0x0  }
0x27: {  	[sflag:s17] =	ssyncadd.s32 $0xFFFFFF80  }
0x28: {  	[tilespmem:s22], [sflag:$0x2] =	stream.linear.gather [hbm4b:s12+s2], $0x80, $0x38;
	[tilespmem:$0x4A00] =	vst v63  }
0x29: {  	_ =	swait.ge [sflag:s17], $0x80  }
0x2a: {  	[sflag:s17] =	ssyncset.done $0x0  }
0x2b: {  	[sflag:s17] =	ssyncadd.s32 $0xFFFFFF80  }
0x2c: {  	[tilespmem:s23], [sflag:$0x2] =	stream.linear.gather [hbm4b:s13+s2], $0x80, $0x38;
	[tilespmem:$0x4A00] =	vst v63  }
0x2d: {  	_ =	swait.ge [sflag:s17], $0x80  }
0x2e: {  	[sflag:s17] =	ssyncset.done $0x0  }
0x2f: {  	[sflag:s17] =	ssyncadd.s32 $0xFFFFFF80  }
0x30: {  	[tilespmem:s24], [sflag:$0x2] =	stream.linear.gather [hbm4b:s14+s2], $0x80, $0x38;
	[tilespmem:$0x4A00] =	vst v63  }
0x31: {  	_ =	swait.ge [sflag:s17], $0x80  }
0x32: {  	[sflag:s17] =	ssyncset.done $0x0  }
0x33: {  	[sflag:s17] =	ssyncadd.s32 $0xFFFFFF80  }
0x34: {  	[tilespmem:s25], [sflag:$0x1] =	stream.indirect.gather [hbm4b:s4+s19], $0x10, s2, s19, $0xb8;
	[tilespmem:$0x4A00] =	vst v63  }
0x35: {  	_ = 	snop  }
0x36: {  	[tilespmem:s26], [sflag:$0x1] =	stream.indirect.gather [hbm4b:s5+s19], $0x10, s18, s19, $0xb8;
	[tilespmem:$0x4A00] =	vst v63  }
0x37: {  	s3 =	simm.s32 $0x4400  }
0x38: {  	[tilespmem:s3], [sflag:$0x1] =	stream.indirect.gather [hbm4b:s1+s19], $0x1, s2, s19, $0xb8;
	[tilespmem:$0x4A00] =	vst v63  }
0x39: {  	s0 =	simm.s32 $0x4600  }
0x3a: {  	[tilespmem:s0], [sflag:$0x1] =	stream.indirect.gather [hbm4b:s6+s19], $0x1, s18, s19, $0xb8;
	[tilespmem:$0x4A00] =	vst v63  }
0x3b: {  	s7 =	simm.s32 $0xC00  }
0x3c: {  	[tilespmem:s7], [sflag:$0x1] =	stream.indirect.gather [hbm4b:s4+s19], $0x10, s19, s19, $0xb8;
	[tilespmem:$0x4A00] =	vst v63  }
0x3d: {  	s7 =	simm.s32 $0x2C00  }
0x3e: {  	[tilespmem:s7], [sflag:$0x1] =	stream.indirect.gather [hbm4b:s5+s19], $0x10, s20, s19, $0xb8;
	[tilespmem:$0x4A00] =	vst v63  }
0x3f: {  	s7 =	simm.s32 $0x4480  }
0x40: {  	[tilespmem:s7], [sflag:$0x1] =	stream.indirect.gather [hbm4b:s1+s19], $0x1, s19, s19, $0xb8;
	[tilespmem:$0x4A00] =	vst v63  }
0x41: {  	s7 =	simm.s32 $0x4680  }
0x42: {  	[tilespmem:s7], [sflag:$0x1] =	stream.indirect.gather [hbm4b:s6+s19], $0x1, s20, s19, $0xb8;
	[tilespmem:$0x4A00] =	vst v63  }
0x43: {  	s7 =	simm.s32 $0x1400  }
0x44: {  	[tilespmem:s7], [sflag:$0x1] =	stream.indirect.gather [hbm4b:s4+s19], $0x10, s21, s19, $0xb8;
	[tilespmem:$0x4A00] =	vst v63  }
0x45: {  	s7 =	simm.s32 $0x3400  }
0x46: {  	[tilespmem:s7], [sflag:$0x1] =	stream.indirect.gather [hbm4b:s5+s19], $0x10, s22, s19, $0xb8;
	[tilespmem:$0x4A00] =	vst v63  }
0x47: {  	s7 =	simm.s32 $0x4500  }
0x48: {  	[tilespmem:s7], [sflag:$0x1] =	stream.indirect.gather [hbm4b:s1+s19], $0x1, s21, s19, $0xb8;
	[tilespmem:$0x4A00] =	vst v63  }
0x49: {  	s7 =	simm.s32 $0x4700  }
0x4a: {  	[tilespmem:s7], [sflag:$0x1] =	stream.indirect.gather [hbm4b:s6+s19], $0x1, s22, s19, $0xb8;
	[tilespmem:$0x4A00] =	vst v63  }
0x4b: {  	s7 =	simm.s32 $0x1C00  }
0x4c: {  	[tilespmem:s7], [sflag:$0x1] =	stream.indirect.gather [hbm4b:s4+s19], $0x10, s23, s19, $0xb8;
	[tilespmem:$0x4A00] =	vst v63  }
0x4d: {  	s7 =	simm.s32 $0x3C00  }
0x4e: {  	[tilespmem:s7], [sflag:$0x1] =	stream.indirect.gather [hbm4b:s5+s19], $0x10, s24, s19, $0xb8;
	[tilespmem:$0x4A00] =	vst v63  }
0x4f: {  	s7 =	simm.s32 $0x4580  }
0x50: {  	[tilespmem:s7], [sflag:$0x1] =	stream.indirect.gather [hbm4b:s1+s19], $0x1, s23, s19, $0xb8;
	[tilespmem:$0x4A00] =	vst v63  }
0x51: {  	s7 =	simm.s32 $0x4780  }
0x52: {  	[tilespmem:s7], [sflag:$0x1] =	stream.indirect.gather [hbm4b:s6+s19], $0x1, s24, s19, $0xb8;
	[tilespmem:$0x4A00] =	vst v63  }
0x53: {  	_ =	swait.ge [sflag:s28], $0x800  }
0x54: {  	[sflag:s28] =	ssyncset.done $0x0  }
0x55: {  	[sflag:s28] =	ssyncadd.s32 $0xFFFFF800  }
0x56: {  	_ =	swait.ge [sflag:s28], $0x800  }
0x57: {  	[sflag:s28] =	ssyncset.done $0x0  }
0x58: {  	[sflag:s28] =	ssyncadd.s32 $0xFFFFF800  }
0x59: {  	_ =	swait.ge [sflag:s28], $0x80  }
0x5a: {  	[sflag:s28] =	ssyncset.done $0x0  }
0x5b: {  	[sflag:s28] =	ssyncadd.s32 $0xFFFFFF80  }
0x5c: {  	_ =	swait.ge [sflag:s28], $0x80  }
0x5d: {  	[sflag:s28] =	ssyncset.done $0x0  }
0x5e: {  	[sflag:s28] =	ssyncadd.s32 $0xFFFFFF80  }
0x5f: {  	_ =	swait.ge [sflag:s28], $0x800  }
0x60: {  	[sflag:s28] =	ssyncset.done $0x0  }
0x61: {  	[sflag:s28] =	ssyncadd.s32 $0xFFFFF800  }
0x62: {  	_ =	swait.ge [sflag:s28], $0x800  }
0x63: {  	[sflag:s28] =	ssyncset.done $0x0  }
0x64: {  	[sflag:s28] =	ssyncadd.s32 $0xFFFFF800  }
0x65: {  	_ =	swait.ge [sflag:s28], $0x80  }
0x66: {  	[sflag:s28] =	ssyncset.done $0x0  }
0x67: {  	[sflag:s28] =	ssyncadd.s32 $0xFFFFFF80  }
0x68: {  	_ =	swait.ge [sflag:s28], $0x80  }
0x69: {  	[sflag:s28] =	ssyncset.done $0x0  }
0x6a: {  	[sflag:s28] =	ssyncadd.s32 $0xFFFFFF80  }
0x6b: {  	_ =	swait.ge [sflag:s28], $0x800  }
0x6c: {  	[sflag:s28] =	ssyncset.done $0x0  }
0x6d: {  	[sflag:s28] =	ssyncadd.s32 $0xFFFFF800  }
0x6e: {  	_ =	swait.ge [sflag:s28], $0x800  }
0x6f: {  	[sflag:s28] =	ssyncset.done $0x0  }
0x70: {  	[sflag:s28] =	ssyncadd.s32 $0xFFFFF800  }
0x71: {  	_ =	swait.ge [sflag:s28], $0x80  }
0x72: {  	[sflag:s28] =	ssyncset.done $0x0  }
0x73: {  	[sflag:s28] =	ssyncadd.s32 $0xFFFFFF80  }
0x74: {  	_ =	swait.ge [sflag:s28], $0x80  }
0x75: {  	[sflag:s28] =	ssyncset.done $0x0  }
0x76: {  	[sflag:s28] =	ssyncadd.s32 $0xFFFFFF80  }
0x77: {  	_ =	swait.ge [sflag:s28], $0x800  }
0x78: {  	[sflag:s28] =	ssyncset.done $0x0  }
0x79: {  	[sflag:s28] =	ssyncadd.s32 $0xFFFFF800  }
0x7a: {  	_ =	swait.ge [sflag:s28], $0x800  }
0x7b: {  	v1 =	vmov s2;
	[sflag:s28] =	ssyncset.done $0x0  }
0x7c: {  	v1 =	vshll.u32 v1, $0x4;
	[sflag:s28] =	ssyncadd.s32 $0xFFFFF800  }
0x7d: {  	v1 =	vor.u32 v0, v1;
	_ =	swait.ge [sflag:s28], $0x80  }
0x7e: {  	v2 =	vor.u32 $0x1, v1;
	[sflag:s28] =	ssyncset.done $0x0  }
0x7f: {  	[sflag:s28] =	ssyncadd.s32 $0xFFFFFF80  }
0x80: {  	_ =	swait.ge [sflag:s28], $0x80  }
0x81: {  	[sflag:s28] =	ssyncset.done $0x0  }
0x82: {  	v3 =	vor.u32 $0x2, v1;
	[sflag:s28] =	ssyncadd.s32 $0xFFFFFF80  }
0x83: {  	v4 =	vld.idx.msk [tilespmem:v2+s26+$0x0], $0xffff  }
0x84: {  	v5 =	vor.u32 $0x3, v1;
	v2 =	vld.idx.msk [tilespmem:v2+s25+$0x0], $0xffff  }
0x85: {  	v6 =	vld.idx.msk [tilespmem:v1+s26+$0x0], $0xffff  }
0x86: {  	v8 =	vor.u32 $0x4, v1;
	v7 =	vld.idx.msk [tilespmem:v1+s25+$0x0], $0xffff  }
0x87: {  	v9 =	vld.idx.msk [tilespmem:v3+s26+$0x0], $0xffff  }
0x88: {  	v10 =	vor.u32 $0x5, v1;
	v3 =	vld.idx.msk [tilespmem:v3+s25+$0x0], $0xffff  }
0x89: {  	v11 =	vld.idx.msk [tilespmem:v5+s26+$0x0], $0xffff  }
0x8a: {  	v12 =	vor.u32 $0x6, v1;
	v5 =	vld.idx.msk [tilespmem:v5+s25+$0x0], $0xffff;
	v13 =	vmul.f32 v6, v6;
	v14 =	vmul.f32 v4, v4  }
0x8b: {  	v15 =	vld.idx.msk [tilespmem:v8+s26+$0x0], $0xffff;
	v16 =	vmul.f32 v7, v7;
	v17 =	vmul.f32 v2, v2  }
0x8c: {  	v18 =	vor.u32 $0x7, v1;
	v8 =	vld.idx.msk [tilespmem:v8+s25+$0x0], $0xffff;
	v33 =	vmul.f32 v9, v9;
	v13 =	vadd.f32 v14, v13  }
0x8d: {  	v19 =	vld.idx.msk [tilespmem:v10+s26+$0x0], $0xffff;
	v34 =	vmul.f32 v3, v3;
	v16 =	vadd.f32 v17, v16  }
0x8e: {  	v20 =	vor.u32 $0x8, v1;
	v10 =	vld.idx.msk [tilespmem:v10+s25+$0x0], $0xffff;
	v35 =	vmul.f32 v11, v11;
	v13 =	vadd.f32 v33, v13  }
0x8f: {  	v21 =	vld.idx.msk [tilespmem:v12+s26+$0x0], $0xffff;
	v36 =	vmul.f32 v5, v5;
	v16 =	vadd.f32 v34, v16  }
0x90: {  	v22 =	vor.u32 $0x9, v1;
	v12 =	vld.idx.msk [tilespmem:v12+s25+$0x0], $0xffff;
	v37 =	vmul.f32 v15, v15;
	v13 =	vadd.f32 v35, v13  }
0x91: {  	v23 =	vld.idx.msk [tilespmem:v18+s26+$0x0], $0xffff;
	v38 =	vmul.f32 v8, v8;
	v16 =	vadd.f32 v36, v16  }
0x92: {  	v24 =	vor.u32 $0xA, v1;
	v18 =	vld.idx.msk [tilespmem:v18+s25+$0x0], $0xffff;
	v39 =	vmul.f32 v19, v19;
	v13 =	vadd.f32 v37, v13  }
0x93: {  	v25 =	vld.idx.msk [tilespmem:v20+s26+$0x0], $0xffff;
	v40 =	vmul.f32 v10, v10;
	v16 =	vadd.f32 v38, v16  }
0x94: {  	v26 =	vor.u32 $0xB, v1;
	v20 =	vld.idx.msk [tilespmem:v20+s25+$0x0], $0xffff;
	v41 =	vmul.f32 v21, v21;
	v13 =	vadd.f32 v39, v13  }
0x95: {  	v27 =	vld.idx.msk [tilespmem:v22+s26+$0x0], $0xffff;
	v42 =	vmul.f32 v12, v12;
	v16 =	vadd.f32 v40, v16  }
0x96: {  	v28 =	vor.u32 $0xC, v1;
	v22 =	vld.idx.msk [tilespmem:v22+s25+$0x0], $0xffff;
	v43 =	vmul.f32 v23, v23;
	v13 =	vadd.f32 v41, v13  }
0x97: {  	v29 =	vld.idx.msk [tilespmem:v24+s26+$0x0], $0xffff;
	v44 =	vmul.f32 v18, v18;
	v16 =	vadd.f32 v42, v16  }
0x98: {  	v30 =	vor.u32 $0xD, v1;
	v24 =	vld.idx.msk [tilespmem:v24+s25+$0x0], $0xffff;
	v45 =	vmul.f32 v25, v25;
	v13 =	vadd.f32 v43, v13  }
0x99: {  	v31 =	vld.idx.msk [tilespmem:v26+s26+$0x0], $0xffff;
	v46 =	vmul.f32 v20, v20;
	v16 =	vadd.f32 v44, v16  }
0x9a: {  	v32 =	vor.u32 $0xE, v1;
	v26 =	vld.idx.msk [tilespmem:v26+s25+$0x0], $0xffff;
	v47 =	vmul.f32 v27, v27;
	v13 =	vadd.f32 v45, v13  }
0x9b: {  	v48 =	vmul.f32 v22, v22;
	v33 =	vld.idx.msk [tilespmem:v28+s26+$0x0], $0xffff;
	v16 =	vadd.f32 v46, v16  }
0x9c: {  	v1 =	vor.u32 $0xF, v1;
	v49 =	vmul.f32 v29, v29;
	v28 =	vld.idx.msk [tilespmem:v28+s25+$0x0], $0xffff;
	v13 =	vadd.f32 v47, v13  }
0x9d: {  	v50 =	vmul.f32 v24, v24;
	v34 =	vld.idx.msk [tilespmem:v30+s26+$0x0], $0xffff;
	v16 =	vadd.f32 v48, v16  }
0x9e: {  	v51 =	vmul.f32 v31, v31;
	v30 =	vld.idx.msk [tilespmem:v30+s25+$0x0], $0xffff;
	v13 =	vadd.f32 v49, v13  }
0x9f: {  	v52 =	vmul.f32 v26, v26;
	v35 =	vld.idx.msk [tilespmem:v32+s26+$0x0], $0xffff;
	v16 =	vadd.f32 v50, v16  }
0xa0: {  	v32 =	vld.idx.msk [tilespmem:v32+s25+$0x0], $0xffff;
	v53 =	vmul.f32 v33, v33;
	v13 =	vadd.f32 v51, v13  }
0xa1: {  	v36 =	vld.idx.msk [tilespmem:v1+s26+$0x0], $0xffff;
	v54 =	vmul.f32 v28, v28;
	v16 =	vadd.f32 v52, v16  }
0xa2: {  	v1 =	vld.idx.msk [tilespmem:v1+s25+$0x0], $0xffff;
	v55 =	vmul.f32 v34, v34;
	v13 =	vadd.f32 v53, v13  }
0xa3: {  	v56 =	vmul.f32 v30, v30;
	v16 =	vadd.f32 v54, v16  }
0xa4: {  	v57 =	vmul.f32 v35, v35;
	v13 =	vadd.f32 v55, v13  }
0xa5: {  	v58 =	vmul.f32 v32, v32;
	v16 =	vadd.f32 v56, v16  }
0xa6: {  	v59 =	vmul.f32 v36, v36;
	v13 =	vadd.f32 v57, v13  }
0xa7: {  	v60 =	vmul.f32 v1, v1;
	v16 =	vadd.f32 v58, v16  }
0xa8: {  	v13 =	vadd.f32 v59, v13  }
0xa9: {  	v61 =	vadd.f32 v60, v16  }
0xaa: {  	v13 =	vmax.f32 v13, $1.000000000e-30  }
0xab: {  	v14 =	vmax.f32 v61, $1.000000000e-30;
	v62 =	vshra.s32 v13, $0x1  }
0xac: {  	v63 =	vshra.s32 v14, $0x1;
	v37 =	vmul.f32 $5.000000000e-01, v14;
	v38 =	vmul.f32 $5.000000000e-01, v13  }
0xad: {  	v17 =	vsub.s32 $0x5F3759DF, v63;
	v16 =	vsub.s32 $0x5F3759DF, v62  }
0xae: {  	v39 =	vmul.f32 v17, v37;
	v40 =	vmul.f32 v16, v38;
	_ =	sdelay $0x1  }
0xaf: {  	v39 =	vmul.f32 v17, v39;
	v40 =	vmul.f32 v16, v40  }
0xb0: {  	v6 =	vmul.f32 v6, v7  }
0xb1: {  	v39 =	vsub.f32 $1.500000000e+00, v39;
	v40 =	vsub.f32 $1.500000000e+00, v40  }
0xb2: {  	v2 =	vmul.f32 v4, v2;
	v6 =	vadd.f32 $0.0e+00, v6  }
0xb3: {  	v7 =	vmul.f32 v17, v39;
	v16 =	vmul.f32 v16, v40  }
0xb4: {  	v3 =	vmul.f32 v9, v3;
	v2 =	vadd.f32 v2, v6  }
0xb5: {  	v4 =	vmul.f32 v7, v37;
	v40 =	vmul.f32 v16, v38  }
0xb6: {  	v2 =	vadd.f32 v3, v2;
	v3 =	vmul.f32 v11, v5  }
0xb7: {  	v4 =	vmul.f32 v4, v7;
	v6 =	vmul.f32 v40, v16  }
0xb8: {  	v2 =	vadd.f32 v3, v2;
	v3 =	vmul.f32 v15, v8  }
0xb9: {  	v4 =	vsub.f32 $1.500000000e+00, v4;
	v5 =	vsub.f32 $1.500000000e+00, v6  }
0xba: {  	v2 =	vadd.f32 v3, v2;
	v3 =	vmul.f32 v19, v10  }
0xbb: {  	v4 =	vmul.f32 v4, v7;
	v5 =	vmul.f32 v5, v16  }
0xbc: {  	v2 =	vadd.f32 v3, v2;
	v3 =	vmul.f32 v21, v12  }
0xbd: {  	v6 =	vmul.f32 v4, v37;
	v7 =	vmul.f32 v5, v38  }
0xbe: {  	v2 =	vadd.f32 v3, v2;
	v3 =	vmul.f32 v23, v18  }
0xbf: {  	v6 =	vmul.f32 v6, v4;
	v7 =	vmul.f32 v7, v5  }
0xc0: {  	v2 =	vadd.f32 v3, v2;
	v3 =	vmul.f32 v25, v20  }
0xc1: {  	v6 =	vsub.f32 $1.500000000e+00, v6;
	v7 =	vsub.f32 $1.500000000e+00, v7  }
0xc2: {  	v2 =	vadd.f32 v3, v2;
	v3 =	vmul.f32 v27, v22  }
0xc3: {  	v4 =	vmul.f32 v6, v4;
	v5 =	vmul.f32 v7, v5  }
0xc4: {  	v2 =	vadd.f32 v3, v2;
	v3 =	vmul.f32 v29, v24  }
0xc5: {  	v4 =	vmul.f32 v4, v14;
	v5 =	vmul.f32 v5, v13  }
0xc6: {  	v2 =	vadd.f32 v3, v2  }
0xc7: {  	v3 =	vmul.f32 v31, v26;
	v4 =	vmax.f32 v4, $9.999999930e-09;
	v5 =	vmax.f32 v5, $9.999999930e-09  }
0xc8: {  	v4 =	vmul.f32 v5, v4  }
0xc9: {  	v2 =	vadd.f32 v3, v2;
	v3 =	vmul.f32 v33, v28  }
0xca: {  	(erf) = vrcp.f32 v4  }
0xcb: {  	v2 =	vadd.f32 v3, v2;
	v3 =	vmul.f32 v34, v30;
	_ =	sdelay $0x1  }
0xcc: {  	v2 =	vadd.f32 v3, v2;
	v3 =	vmul.f32 v35, v32;
	_ =	sdelay $0x1  }
0xcd: {  	v2 =	vadd.f32 v3, v2  }
0xce: {  	v1 =	vmul.f32 v36, v1;
	_ =	sdelay $0x1  }
0xcf: {  	v1 =	vadd.f32 v1, v2  }
0xd0: {  	v2 =	vpop (erf)  }
0xd1: {  	v1 =	vmul.f32 v2, v1  }
0xd2: {  	v2 =	vld [tilespmem:s3+$0x0]  }
0xd3: {  	s7 =	simm.s32 $0x10;
	v1 =	vmul.f32 $2.500000000e+00, v1  }
0xd4: {  	v3 =	vmov s7;
	v4 =	vld [tilespmem:s0+$0x0]  }
0xd5: {  	v3 =	vshll.u32 v3, $0x4;
	v1 =	vadd.f32 $2.750000000e+00, v1  }
0xd6: {  	v3 =	vor.u32 v0, v3  }
0xd7: {  	v5 =	vor.u32 $0x1, v3;
	v1 =	vadd.f32 v1, v2;
	_ =	sdelay $0x1  }
0xd8: {  	v1 =	vadd.f32 v1, v4;
	_ =	sdelay $0x1  }
0xd9: {  	v2 =	vor.u32 $0x2, v3;
	[tilespmem:s29+$0x0] =	vst v1  }
0xda: {  	v1 =	vld.idx.msk [tilespmem:v5+s26+$0x0], $0xffff  }
0xdb: {  	v4 =	vld.idx.msk [tilespmem:v5+s25+$0x0], $0xffff;
	v5 =	vor.u32 $0x3, v3  }
0xdc: {  	v6 =	vld.idx.msk [tilespmem:v3+s26+$0x0], $0xffff  }
0xdd: {  	v41 =	vor.u32 $0x4, v3;
	v7 =	vld.idx.msk [tilespmem:v3+s25+$0x0], $0xffff  }
0xde: {  	v9 =	vld.idx.msk [tilespmem:v2+s26+$0x0], $0xffff  }
0xdf: {  	v42 =	vor.u32 $0x5, v3;
	v2 =	vld.idx.msk [tilespmem:v2+s25+$0x0], $0xffff  }
0xe0: {  	v11 =	vld.idx.msk [tilespmem:v5+s26+$0x0], $0xffff  }
0xe1: {  	v43 =	vor.u32 $0x6, v3;
	v5 =	vld.idx.msk [tilespmem:v5+s25+$0x0], $0xffff;
	v44 =	vmul.f32 v6, v6;
	v45 =	vmul.f32 v1, v1  }
0xe2: {  	v15 =	vld.idx.msk [tilespmem:v41+s26+$0x0], $0xffff;
	v46 =	vmul.f32 v7, v7;
	v47 =	vmul.f32 v4, v4  }
0xe3: {  	v48 =	vor.u32 $0x7, v3;
	v8 =	vld.idx.msk [tilespmem:v41+s25+$0x0], $0xffff;
	v49 =	vmul.f32 v9, v9;
	v13 =	vadd.f32 v45, v44  }
0xe4: {  	v19 =	vld.idx.msk [tilespmem:v42+s26+$0x0], $0xffff;
	v50 =	vmul.f32 v2, v2;
	v16 =	vadd.f32 v47, v46  }
0xe5: {  	v51 =	vor.u32 $0x8, v3;
	v10 =	vld.idx.msk [tilespmem:v42+s25+$0x0], $0xffff;
	v13 =	vadd.f32 v49, v13;
	v52 =	vmul.f32 v11, v11  }
0xe6: {  	v21 =	vld.idx.msk [tilespmem:v43+s26+$0x0], $0xffff;
	v16 =	vadd.f32 v50, v16;
	v53 =	vmul.f32 v5, v5  }
0xe7: {  	v54 =	vor.u32 $0x9, v3;
	v12 =	vld.idx.msk [tilespmem:v43+s25+$0x0], $0xffff;
	v55 =	vmul.f32 v15, v15;
	v13 =	vadd.f32 v52, v13  }
0xe8: {  	v23 =	vld.idx.msk [tilespmem:v48+s26+$0x0], $0xffff;
	v56 =	vmul.f32 v8, v8;
	v16 =	vadd.f32 v53, v16  }
0xe9: {  	v57 =	vor.u32 $0xA, v3;
	v18 =	vld.idx.msk [tilespmem:v48+s25+$0x0], $0xffff;
	v58 =	vmul.f32 v19, v19;
	v13 =	vadd.f32 v55, v13  }
0xea: {  	v25 =	vld.idx.msk [tilespmem:v51+s26+$0x0], $0xffff;
	v59 =	vmul.f32 v10, v10;
	v16 =	vadd.f32 v56, v16  }
0xeb: {  	v60 =	vor.u32 $0xB, v3;
	v20 =	vld.idx.msk [tilespmem:v51+s25+$0x0], $0xffff;
	v61 =	vmul.f32 v21, v21;
	v13 =	vadd.f32 v58, v13  }
0xec: {  	v27 =	vld.idx.msk [tilespmem:v54+s26+$0x0], $0xffff;
	v62 =	vmul.f32 v12, v12;
	v16 =	vadd.f32 v59, v16  }
0xed: {  	v63 =	vor.u32 $0xC, v3;
	v22 =	vld.idx.msk [tilespmem:v54+s25+$0x0], $0xffff;
	v34 =	vmul.f32 v23, v23;
	v13 =	vadd.f32 v61, v13  }
0xee: {  	v29 =	vld.idx.msk [tilespmem:v57+s26+$0x0], $0xffff;
	v35 =	vmul.f32 v18, v18;
	v16 =	vadd.f32 v62, v16  }
0xef: {  	v36 =	vor.u32 $0xD, v3;
	v24 =	vld.idx.msk [tilespmem:v57+s25+$0x0], $0xffff;
	v37 =	vmul.f32 v25, v25;
	v13 =	vadd.f32 v34, v13  }
0xf0: {  	v31 =	vld.idx.msk [tilespmem:v60+s26+$0x0], $0xffff;
	v38 =	vmul.f32 v20, v20;
	v16 =	vadd.f32 v35, v16  }
0xf1: {  	v39 =	vor.u32 $0xE, v3;
	v26 =	vld.idx.msk [tilespmem:v60+s25+$0x0], $0xffff;
	v40 =	vmul.f32 v27, v27;
	v13 =	vadd.f32 v37, v13  }
0xf2: {  	v33 =	vld.idx.msk [tilespmem:v63+s26+$0x0], $0xffff;
	v41 =	vmul.f32 v22, v22;
	v16 =	vadd.f32 v38, v16  }
0xf3: {  	v28 =	vld.idx.msk [tilespmem:v63+s25+$0x0], $0xffff;
	v3 =	vor.u32 $0xF, v3;
	v42 =	vmul.f32 v29, v29;
	v13 =	vadd.f32 v40, v13  }
0xf4: {  	v43 =	vmul.f32 v24, v24;
	v34 =	vld.idx.msk [tilespmem:v36+s26+$0x0], $0xffff;
	v16 =	vadd.f32 v41, v16  }
0xf5: {  	v30 =	vld.idx.msk [tilespmem:v36+s25+$0x0], $0xffff;
	v44 =	vmul.f32 v31, v31;
	v13 =	vadd.f32 v42, v13  }
0xf6: {  	v45 =	vld.idx.msk [tilespmem:v39+s26+$0x0], $0xffff;
	v46 =	vmul.f32 v26, v26;
	v16 =	vadd.f32 v43, v16  }
0xf7: {  	v32 =	vld.idx.msk [tilespmem:v39+s25+$0x0], $0xffff;
	v47 =	vmul.f32 v33, v33;
	v13 =	vadd.f32 v44, v13  }
0xf8: {  	v48 =	vld.idx.msk [tilespmem:v3+s26+$0x0], $0xffff;
	v49 =	vmul.f32 v28, v28;
	v16 =	vadd.f32 v46, v16  }
0xf9: {  	v3 =	vld.idx.msk [tilespmem:v3+s25+$0x0], $0xffff;
	v50 =	vmul.f32 v34, v34;
	v13 =	vadd.f32 v47, v13  }
0xfa: {  	v51 =	vmul.f32 v30, v30;
	v16 =	vadd.f32 v49, v16  }
0xfb: {  	v52 =	vmul.f32 v45, v45;
	v13 =	vadd.f32 v50, v13  }
0xfc: {  	v53 =	vmul.f32 v32, v32;
	v16 =	vadd.f32 v51, v16  }
0xfd: {  	v54 =	vmul.f32 v48, v48;
	v13 =	vadd.f32 v52, v13  }
0xfe: {  	v55 =	vmul.f32 v3, v3;
	v16 =	vadd.f32 v53, v16  }
0xff: {  	v13 =	vadd.f32 v54, v13  }
0x100: {  	v56 =	vadd.f32 v55, v16  }
0x101: {  	v13 =	vmax.f32 v13, $1.000000000e-30  }
0x102: {  	v14 =	vmax.f32 v56, $1.000000000e-30;
	v57 =	vshra.s32 v13, $0x1  }
0x103: {  	v58 =	vshra.s32 v14, $0x1;
	v59 =	vmul.f32 $5.000000000e-01, v14;
	v60 =	vmul.f32 $5.000000000e-01, v13  }
0x104: {  	v17 =	vsub.s32 $0x5F3759DF, v58;
	v16 =	vsub.s32 $0x5F3759DF, v57  }
0x105: {  	v61 =	vmul.f32 v17, v59;
	v62 =	vmul.f32 v16, v60;
	_ =	sdelay $0x1  }
0x106: {  	v39 =	vmul.f32 v17, v61;
	v40 =	vmul.f32 v16, v62  }
0x107: {  	v6 =	vmul.f32 v6, v7  }
0x108: {  	v39 =	vsub.f32 $1.500000000e+00, v39;
	v40 =	vsub.f32 $1.500000000e+00, v40  }
0x109: {  	v1 =	vmul.f32 v1, v4;
	v6 =	vadd.f32 $0.0e+00, v6  }
0x10a: {  	v7 =	vmul.f32 v17, v39;
	v16 =	vmul.f32 v16, v40  }
0x10b: {  	v2 =	vmul.f32 v9, v2;
	v1 =	vadd.f32 v1, v6  }
0x10c: {  	v4 =	vmul.f32 v7, v59;
	v63 =	vmul.f32 v16, v60  }
0x10d: {  	v1 =	vadd.f32 v2, v1;
	v2 =	vmul.f32 v11, v5  }
0x10e: {  	v4 =	vmul.f32 v4, v7;
	v6 =	vmul.f32 v63, v16  }
0x10f: {  	v1 =	vadd.f32 v2, v1;
	v2 =	vmul.f32 v15, v8  }
0x110: {  	v4 =	vsub.f32 $1.500000000e+00, v4;
	v5 =	vsub.f32 $1.500000000e+00, v6  }
0x111: {  	v1 =	vadd.f32 v2, v1;
	v2 =	vmul.f32 v19, v10  }
0x112: {  	v4 =	vmul.f32 v4, v7;
	v5 =	vmul.f32 v5, v16  }
0x113: {  	v1 =	vadd.f32 v2, v1;
	v2 =	vmul.f32 v21, v12  }
0x114: {  	v6 =	vmul.f32 v4, v59;
	v7 =	vmul.f32 v5, v60  }
0x115: {  	v1 =	vadd.f32 v2, v1;
	v2 =	vmul.f32 v23, v18  }
0x116: {  	v6 =	vmul.f32 v6, v4;
	v7 =	vmul.f32 v7, v5  }
0x117: {  	v1 =	vadd.f32 v2, v1;
	v2 =	vmul.f32 v25, v20  }
0x118: {  	v6 =	vsub.f32 $1.500000000e+00, v6;
	v7 =	vsub.f32 $1.500000000e+00, v7  }
0x119: {  	v1 =	vadd.f32 v2, v1;
	v2 =	vmul.f32 v27, v22  }
0x11a: {  	v4 =	vmul.f32 v6, v4;
	v5 =	vmul.f32 v7, v5  }
0x11b: {  	v1 =	vadd.f32 v2, v1;
	v2 =	vmul.f32 v29, v24  }
0x11c: {  	v4 =	vmul.f32 v4, v14;
	v5 =	vmul.f32 v5, v13  }
0x11d: {  	v1 =	vadd.f32 v2, v1  }
0x11e: {  	v2 =	vmul.f32 v31, v26;
	v4 =	vmax.f32 v4, $9.999999930e-09;
	v5 =	vmax.f32 v5, $9.999999930e-09  }
0x11f: {  	v4 =	vmul.f32 v5, v4  }
0x120: {  	v1 =	vadd.f32 v2, v1;
	v2 =	vmul.f32 v33, v28  }
0x121: {  	(erf) = vrcp.f32 v4  }
0x122: {  	v1 =	vadd.f32 v2, v1;
	v2 =	vmul.f32 v34, v30;
	_ =	sdelay $0x1  }
0x123: {  	v1 =	vadd.f32 v2, v1;
	v2 =	vmul.f32 v45, v32;
	_ =	sdelay $0x1  }
0x124: {  	v1 =	vadd.f32 v2, v1;
	v2 =	vmul.f32 v48, v3;
	_ =	sdelay $0x2  }
0x125: {  	v1 =	vadd.f32 v2, v1  }
0x126: {  	v2 =	vpop (erf)  }
0x127: {  	v1 =	vmul.f32 v2, v1  }
0x128: {  	s31 =	simm.s32 $0x4410;
	s7 =	simm.s32 $0x20  }
0x129: {  	v4 =	vld [tilespmem:s31+$0x0];
	v2 =	vmov s7;
	v1 =	vmul.f32 $2.500000000e+00, v1  }
0x12a: {  	s0 =	simm.s32 $0x4610;
	v2 =	vshll.u32 v2, $0x4  }
0x12b: {  	v5 =	vadd.f32 $2.750000000e+00, v1;
	v1 =	vor.u32 v0, v2;
	v2 =	vld [tilespmem:s0+$0x0];
	_ =	sdelay $0x2  }
0x12c: {  	s3 =	simm.s32 $0x4800;
	s7 =	simm.s32 $0x30;
	v3 =	vor.u32 $0x1, v1;
	v4 =	vadd.f32 v5, v4  }
.LBB2_2:
0x12d: {  	p0 =	sne.s32 s7, $0x1F0  }
0x12e: {  	v2 =	vadd.f32 v4, v2  }
0x12f: {  	s3 =	sadd.s32 $0x10, s3  }
0x130: {  	v4 =	vor.u32 $0x2, v1;
	[tilespmem:s3+$0x0] =	vst v2  }
0x131: {  	v2 =	vld.idx.msk [tilespmem:v3+s26+$0x0], $0xffff  }
0x132: {  	v6 =	vor.u32 $0x3, v1;
	v3 =	vld.idx.msk [tilespmem:v3+s25+$0x0], $0xffff  }
0x133: {  	v12 =	vld.idx.msk [tilespmem:v1+s26+$0x0], $0xffff  }
0x134: {  	v9 =	vor.u32 $0x4, v1;
	v14 =	vld.idx.msk [tilespmem:v1+s25+$0x0], $0xffff  }
0x135: {  	v5 =	vld.idx.msk [tilespmem:v4+s26+$0x0], $0xffff  }
0x136: {  	v11 =	vor.u32 $0x5, v1;
	v8 =	vld.idx.msk [tilespmem:v4+s25+$0x0], $0xffff  }
0x137: {  	v4 =	vld.idx.msk [tilespmem:v6+s26+$0x0], $0xffff  }
0x138: {  	v15 =	vor.u32 $0x6, v1;
	v7 =	vld.idx.msk [tilespmem:v6+s25+$0x0], $0xffff  }
0x139: {  	v16 =	vmul.f32 v2, v2;
	v13 =	vmul.f32 v12, v12;
	v6 =	vld.idx.msk [tilespmem:v9+s26+$0x0], $0xffff  }
0x13a: {  	v19 =	vor.u32 $0x7, v1;
	v18 =	vmul.f32 v3, v3;
	v17 =	vmul.f32 v14, v14;
	v10 =	vld.idx.msk [tilespmem:v9+s25+$0x0], $0xffff  }
0x13b: {  	v16 =	vadd.f32 v16, v13;
	v20 =	vmul.f32 v5, v5;
	v9 =	vld.idx.msk [tilespmem:v11+s26+$0x0], $0xffff  }
0x13c: {  	v21 =	vor.u32 $0x8, v1;
	v17 =	vadd.f32 v18, v17;
	v18 =	vmul.f32 v8, v8;
	v13 =	vld.idx.msk [tilespmem:v11+s25+$0x0], $0xffff  }
0x13d: {  	v20 =	vadd.f32 v20, v16;
	v22 =	vmul.f32 v4, v4;
	v11 =	vld.idx.msk [tilespmem:v15+s26+$0x0], $0xffff  }
0x13e: {  	v23 =	vor.u32 $0x9, v1;
	v17 =	vadd.f32 v18, v17;
	v18 =	vmul.f32 v7, v7;
	v16 =	vld.idx.msk [tilespmem:v15+s25+$0x0], $0xffff  }
0x13f: {  	v20 =	vadd.f32 v22, v20;
	v22 =	vmul.f32 v6, v6;
	v15 =	vld.idx.msk [tilespmem:v19+s26+$0x0], $0xffff  }
0x140: {  	v26 =	vor.u32 $0xA, v1;
	v24 =	vadd.f32 v18, v17;
	v25 =	vmul.f32 v10, v10;
	v18 =	vld.idx.msk [tilespmem:v19+s25+$0x0], $0xffff  }
0x141: {  	v19 =	vadd.f32 v22, v20;
	v22 =	vmul.f32 v9, v9;
	v17 =	vld.idx.msk [tilespmem:v21+s26+$0x0], $0xffff  }
0x142: {  	v27 =	vor.u32 $0xB, v1;
	v24 =	vadd.f32 v25, v24;
	v25 =	vmul.f32 v13, v13;
	v20 =	vld.idx.msk [tilespmem:v21+s25+$0x0], $0xffff  }
0x143: {  	v21 =	vadd.f32 v22, v19;
	v28 =	vmul.f32 v11, v11;
	v19 =	vld.idx.msk [tilespmem:v23+s26+$0x0], $0xffff  }
0x144: {  	v29 =	vor.u32 $0xC, v1;
	v24 =	vadd.f32 v25, v24;
	v25 =	vmul.f32 v16, v16;
	v22 =	vld.idx.msk [tilespmem:v23+s25+$0x0], $0xffff  }
0x145: {  	v23 =	vadd.f32 v28, v21;
	v28 =	vmul.f32 v15, v15;
	v21 =	vld.idx.msk [tilespmem:v26+s26+$0x0], $0xffff  }
0x146: {  	v31 =	vor.u32 $0xD, v1;
	v25 =	vadd.f32 v25, v24;
	v30 =	vmul.f32 v18, v18;
	v24 =	vld.idx.msk [tilespmem:v26+s25+$0x0], $0xffff  }
0x147: {  	v26 =	vadd.f32 v28, v23;
	v28 =	vmul.f32 v17, v17;
	v23 =	vld.idx.msk [tilespmem:v27+s26+$0x0], $0xffff  }
0x148: {  	v33 =	vor.u32 $0xE, v1;
	v30 =	vadd.f32 v30, v25;
	v32 =	vmul.f32 v20, v20;
	v25 =	vld.idx.msk [tilespmem:v27+s25+$0x0], $0xffff  }
0x149: {  	v28 =	vadd.f32 v28, v26;
	v34 =	vmul.f32 v19, v19;
	v26 =	vld.idx.msk [tilespmem:v29+s26+$0x0], $0xffff  }
0x14a: {  	v35 =	vor.u32 $0xF, v1;
	v30 =	vadd.f32 v32, v30;
	v32 =	vmul.f32 v22, v22;
	v27 =	vld.idx.msk [tilespmem:v29+s25+$0x0], $0xffff  }
0x14b: {  	v29 =	vadd.f32 v34, v28;
	v34 =	vmul.f32 v21, v21;
	v1 =	vld.idx.msk [tilespmem:v31+s26+$0x0], $0xffff  }
0x14c: {  	v30 =	vadd.f32 v32, v30;
	v32 =	vmul.f32 v24, v24;
	v28 =	vld.idx.msk [tilespmem:v31+s25+$0x0], $0xffff  }
0x14d: {  	v31 =	vadd.f32 v34, v29;
	v34 =	vmul.f32 v23, v23;
	v29 =	vld.idx.msk [tilespmem:v33+s26+$0x0], $0xffff  }
0x14e: {  	v32 =	vadd.f32 v32, v30;
	v36 =	vmul.f32 v25, v25;
	v30 =	vld.idx.msk [tilespmem:v33+s25+$0x0], $0xffff  }
0x14f: {  	v33 =	vadd.f32 v34, v31;
	v34 =	vmul.f32 v26, v26;
	v31 =	vld.idx.msk [tilespmem:v35+s26+$0x0], $0xffff  }
0x150: {  	v36 =	vadd.f32 v36, v32;
	v37 =	vmul.f32 v27, v27;
	v32 =	vld.idx.msk [tilespmem:v35+s25+$0x0], $0xffff  }
0x151: {  	v33 =	vadd.f32 v34, v33;
	v34 =	vmul.f32 v1, v1  }
0x152: {  	v35 =	vadd.f32 v37, v36;
	v36 =	vmul.f32 v28, v28  }
0x153: {  	v33 =	vadd.f32 v34, v33;
	v34 =	vmul.f32 v29, v29  }
0x154: {  	v35 =	vadd.f32 v36, v35;
	v36 =	vmul.f32 v30, v30  }
0x155: {  	v33 =	vadd.f32 v34, v33;
	v34 =	vmul.f32 v31, v31  }
0x156: {  	v35 =	vadd.f32 v36, v35;
	v36 =	vmul.f32 v32, v32  }
0x157: {  	v33 =	vadd.f32 v34, v33  }
0x158: {  	v34 =	vadd.f32 v36, v35  }
0x159: {  	v33 =	vmax.f32 v33, $1.000000000e-30  }
0x15a: {  	v34 =	vmax.f32 v34, $1.000000000e-30;
	v35 =	vshra.s32 v33, $0x1  }
0x15b: {  	v38 =	vmul.f32 $5.000000000e-01, v33;
	v36 =	vshra.s32 v34, $0x1;
	v37 =	vmul.f32 $5.000000000e-01, v34  }
0x15c: {  	v35 =	vsub.s32 $0x5F3759DF, v35;
	v36 =	vsub.s32 $0x5F3759DF, v36  }
0x15d: {  	v40 =	vmul.f32 v35, v38;
	v39 =	vmul.f32 v36, v37;
	_ =	sdelay $0x1  }
0x15e: {  	v40 =	vmul.f32 v35, v40;
	v39 =	vmul.f32 v36, v39;
	_ =	sdelay $0x1  }
0x15f: {  	v40 =	vsub.f32 $1.500000000e+00, v40;
	v39 =	vsub.f32 $1.500000000e+00, v39  }
0x160: {  	v12 =	vmul.f32 v12, v14  }
0x161: {  	v35 =	vmul.f32 v35, v40;
	v14 =	vmul.f32 v36, v39  }
0x162: {  	v2 =	vmul.f32 v2, v3;
	v12 =	vadd.f32 $0.0e+00, v12  }
0x163: {  	v36 =	vmul.f32 v35, v38;
	v3 =	vmul.f32 v14, v37  }
0x164: {  	v5 =	vmul.f32 v5, v8;
	v2 =	vadd.f32 v2, v12  }
0x165: {  	v8 =	vmul.f32 v36, v35;
	v3 =	vmul.f32 v3, v14  }
0x166: {  	v4 =	vmul.f32 v4, v7;
	v2 =	vadd.f32 v5, v2  }
0x167: {  	v5 =	vsub.f32 $1.500000000e+00, v8;
	v3 =	vsub.f32 $1.500000000e+00, v3  }
0x168: {  	v2 =	vadd.f32 v4, v2;
	v4 =	vmul.f32 v6, v10  }
0x169: {  	v5 =	vmul.f32 v5, v35;
	v3 =	vmul.f32 v3, v14  }
0x16a: {  	v2 =	vadd.f32 v4, v2;
	v4 =	vmul.f32 v9, v13  }
0x16b: {  	v7 =	vmul.f32 v5, v38;
	v6 =	vmul.f32 v3, v37  }
0x16c: {  	v2 =	vadd.f32 v4, v2;
	v4 =	vmul.f32 v11, v16  }
0x16d: {  	v7 =	vmul.f32 v7, v5;
	v6 =	vmul.f32 v6, v3  }
0x16e: {  	v2 =	vadd.f32 v4, v2;
	v4 =	vmul.f32 v15, v18  }
0x16f: {  	v7 =	vsub.f32 $1.500000000e+00, v7;
	v6 =	vsub.f32 $1.500000000e+00, v6  }
0x170: {  	v2 =	vadd.f32 v4, v2;
	v4 =	vmul.f32 v17, v20  }
0x171: {  	v5 =	vmul.f32 v7, v5;
	v3 =	vmul.f32 v6, v3  }
0x172: {  	v2 =	vadd.f32 v4, v2;
	v4 =	vmul.f32 v19, v22  }
0x173: {  	v5 =	vmul.f32 v5, v33;
	v3 =	vmul.f32 v3, v34  }
0x174: {  	v2 =	vadd.f32 v4, v2;
	v4 =	vmul.f32 v21, v24  }
0x175: {  	v5 =	vmax.f32 v5, $9.999999930e-09;
	v3 =	vmax.f32 v3, $9.999999930e-09  }
0x176: {  	v2 =	vadd.f32 v4, v2;
	v4 =	vmul.f32 v23, v25;
	v3 =	vmul.f32 v5, v3;
	_ =	sdelay $0x1  }
0x177: {  	v2 =	vadd.f32 v4, v2;
	v4 =	vmul.f32 v26, v27;
	(erf) = vrcp.f32 v3;
	_ =	sdelay $0x1  }
0x178: {  	v1 =	vmul.f32 v1, v28;
	v2 =	vadd.f32 v4, v2;
	_ =	sdelay $0x1  }
0x179: {  	v1 =	vadd.f32 v1, v2;
	v2 =	vmul.f32 v29, v30;
	_ =	sdelay $0x1  }
0x17a: {  	v1 =	vadd.f32 v2, v1;
	v3 =	vmul.f32 v31, v32;
	_ =	sdelay $0x1  }
0x17b: {  	v1 =	vadd.f32 v3, v1  }
0x17c: {  	v2 =	vpop (erf)  }
0x17d: {  	s31 =	sadd.s32 $0x10, s31;
	v1 =	vmul.f32 v2, v1  }
0x17e: {  	v4 =	vld [tilespmem:s31+$0x0]  }
.Ltmp0:
0x17f: {  	s0 =	sadd.s32 $0x10, s0;
	v1 =	vmul.f32 $2.500000000e+00, v1;
	(pc) =	sbr.rel @p0 .LBB2_2-.Ltmp0, $4  }
0x180: {  	v3 =	vmov s7;
	v2 =	vld [tilespmem:s0+$0x0]  }
0x181: {  	v3 =	vshll.u32 v3, $0x4;
	v5 =	vadd.f32 $2.750000000e+00, v1  }
0x182: {  	v1 =	vor.u32 v0, v3  }
0x183: {  	s7 =	sadd.s32 $0x10, s7;
	v3 =	vor.u32 $0x1, v1;
	v4 =	vadd.f32 v5, v4  }
0x184: {  	_ = 	snop  }
0x185: {  	v2 =	vadd.f32 v4, v2  }
0x186: {  	s3 =	sadd.s32 $0x10, s3  }
0x187: {  	v42 =	vor.u32 $0x2, v1;
	[tilespmem:s3+$0x0] =	vst v2  }
0x188: {  	v2 =	vld.idx.msk [tilespmem:v3+s26+$0x0], $0xffff  }
0x189: {  	v5 =	vor.u32 $0x3, v1;
	v3 =	vld.idx.msk [tilespmem:v3+s25+$0x0], $0xffff  }
0x18a: {  	v6 =	vld.idx.msk [tilespmem:v1+s26+$0x0], $0xffff  }
0x18b: {  	v8 =	vor.u32 $0x4, v1;
	v7 =	vld.idx.msk [tilespmem:v1+s25+$0x0], $0xffff  }
0x18c: {  	v9 =	vld.idx.msk [tilespmem:v42+s26+$0x0], $0xffff  }
0x18d: {  	v10 =	vor.u32 $0x5, v1;
	v4 =	vld.idx.msk [tilespmem:v42+s25+$0x0], $0xffff  }
0x18e: {  	v11 =	vld.idx.msk [tilespmem:v5+s26+$0x0], $0xffff  }
0x18f: {  	v12 =	vor.u32 $0x6, v1;
	v5 =	vld.idx.msk [tilespmem:v5+s25+$0x0], $0xffff;
	v13 =	vmul.f32 v6, v6;
	v14 =	vmul.f32 v2, v2  }
0x190: {  	v15 =	vld.idx.msk [tilespmem:v8+s26+$0x0], $0xffff;
	v16 =	vmul.f32 v7, v7;
	v17 =	vmul.f32 v3, v3  }
0x191: {  	v18 =	vor.u32 $0x7, v1;
	v8 =	vld.idx.msk [tilespmem:v8+s25+$0x0], $0xffff;
	v43 =	vmul.f32 v9, v9;
	v13 =	vadd.f32 v14, v13  }
0x192: {  	v19 =	vld.idx.msk [tilespmem:v10+s26+$0x0], $0xffff;
	v44 =	vmul.f32 v4, v4;
	v16 =	vadd.f32 v17, v16  }
0x193: {  	v20 =	vor.u32 $0x8, v1;
	v10 =	vld.idx.msk [tilespmem:v10+s25+$0x0], $0xffff;
	v45 =	vmul.f32 v11, v11;
	v13 =	vadd.f32 v43, v13  }
0x194: {  	v21 =	vld.idx.msk [tilespmem:v12+s26+$0x0], $0xffff;
	v46 =	vmul.f32 v5, v5;
	v16 =	vadd.f32 v44, v16  }
0x195: {  	v22 =	vor.u32 $0x9, v1;
	v12 =	vld.idx.msk [tilespmem:v12+s25+$0x0], $0xffff;
	v47 =	vmul.f32 v15, v15;
	v13 =	vadd.f32 v45, v13  }
0x196: {  	v23 =	vld.idx.msk [tilespmem:v18+s26+$0x0], $0xffff;
	v48 =	vmul.f32 v8, v8;
	v16 =	vadd.f32 v46, v16  }
0x197: {  	v24 =	vor.u32 $0xA, v1;
	v18 =	vld.idx.msk [tilespmem:v18+s25+$0x0], $0xffff;
	v49 =	vmul.f32 v19, v19;
	v13 =	vadd.f32 v47, v13  }
0x198: {  	v25 =	vld.idx.msk [tilespmem:v20+s26+$0x0], $0xffff;
	v50 =	vmul.f32 v10, v10;
	v16 =	vadd.f32 v48, v16  }
0x199: {  	v26 =	vor.u32 $0xB, v1;
	v20 =	vld.idx.msk [tilespmem:v20+s25+$0x0], $0xffff;
	v51 =	vmul.f32 v21, v21;
	v13 =	vadd.f32 v49, v13  }
0x19a: {  	v27 =	vld.idx.msk [tilespmem:v22+s26+$0x0], $0xffff;
	v52 =	vmul.f32 v12, v12;
	v16 =	vadd.f32 v50, v16  }
0x19b: {  	v28 =	vor.u32 $0xC, v1;
	v22 =	vld.idx.msk [tilespmem:v22+s25+$0x0], $0xffff;
	v53 =	vmul.f32 v23, v23;
	v13 =	vadd.f32 v51, v13  }
0x19c: {  	v29 =	vld.idx.msk [tilespmem:v24+s26+$0x0], $0xffff;
	v54 =	vmul.f32 v18, v18;
	v16 =	vadd.f32 v52, v16  }
0x19d: {  	v30 =	vor.u32 $0xD, v1;
	v24 =	vld.idx.msk [tilespmem:v24+s25+$0x0], $0xffff;
	v55 =	vmul.f32 v25, v25;
	v13 =	vadd.f32 v53, v13  }
0x19e: {  	v31 =	vld.idx.msk [tilespmem:v26+s26+$0x0], $0xffff;
	v56 =	vmul.f32 v20, v20;
	v16 =	vadd.f32 v54, v16  }
0x19f: {  	v32 =	vor.u32 $0xE, v1;
	v26 =	vld.idx.msk [tilespmem:v26+s25+$0x0], $0xffff;
	v57 =	vmul.f32 v27, v27;
	v13 =	vadd.f32 v55, v13  }
0x1a0: {  	v33 =	vld.idx.msk [tilespmem:v28+s26+$0x0], $0xffff;
	v58 =	vmul.f32 v22, v22;
	v16 =	vadd.f32 v56, v16  }
0x1a1: {  	v1 =	vor.u32 $0xF, v1;
	v28 =	vld.idx.msk [tilespmem:v28+s25+$0x0], $0xffff;
	v59 =	vmul.f32 v29, v29;
	v13 =	vadd.f32 v57, v13  }
0x1a2: {  	v34 =	vld.idx.msk [tilespmem:v30+s26+$0x0], $0xffff;
	v60 =	vmul.f32 v24, v24;
	v16 =	vadd.f32 v58, v16  }
0x1a3: {  	v30 =	vld.idx.msk [tilespmem:v30+s25+$0x0], $0xffff;
	v61 =	vmul.f32 v31, v31;
	v13 =	vadd.f32 v59, v13  }
0x1a4: {  	v35 =	vld.idx.msk [tilespmem:v32+s26+$0x0], $0xffff;
	v62 =	vmul.f32 v26, v26;
	v16 =	vadd.f32 v60, v16  }
0x1a5: {  	v32 =	vld.idx.msk [tilespmem:v32+s25+$0x0], $0xffff;
	v63 =	vmul.f32 v33, v33;
	v13 =	vadd.f32 v61, v13  }
0x1a6: {  	v36 =	vld.idx.msk [tilespmem:v1+s26+$0x0], $0xffff;
	v38 =	vmul.f32 v28, v28;
	v16 =	vadd.f32 v62, v16  }
0x1a7: {  	v1 =	vld.idx.msk [tilespmem:v1+s25+$0x0], $0xffff;
	v39 =	vmul.f32 v34, v34;
	v13 =	vadd.f32 v63, v13  }
0x1a8: {  	v40 =	vmul.f32 v30, v30;
	v16 =	vadd.f32 v38, v16  }
0x1a9: {  	v41 =	vmul.f32 v35, v35;
	v13 =	vadd.f32 v39, v13  }
0x1aa: {  	v42 =	vmul.f32 v32, v32;
	v16 =	vadd.f32 v40, v16  }
0x1ab: {  	v43 =	vmul.f32 v36, v36;
	v13 =	vadd.f32 v41, v13  }
0x1ac: {  	v44 =	vmul.f32 v1, v1;
	v16 =	vadd.f32 v42, v16  }
0x1ad: {  	v13 =	vadd.f32 v43, v13  }
0x1ae: {  	v45 =	vadd.f32 v44, v16  }
0x1af: {  	v13 =	vmax.f32 v13, $1.000000000e-30  }
0x1b0: {  	v14 =	vmax.f32 v45, $1.000000000e-30;
	v46 =	vshra.s32 v13, $0x1  }
0x1b1: {  	v47 =	vshra.s32 v14, $0x1;
	v37 =	vmul.f32 $5.000000000e-01, v14;
	v38 =	vmul.f32 $5.000000000e-01, v13  }
0x1b2: {  	v17 =	vsub.s32 $0x5F3759DF, v47;
	v16 =	vsub.s32 $0x5F3759DF, v46  }
0x1b3: {  	v39 =	vmul.f32 v17, v37;
	v40 =	vmul.f32 v16, v38;
	_ =	sdelay $0x1  }
0x1b4: {  	v39 =	vmul.f32 v17, v39;
	v40 =	vmul.f32 v16, v40  }
0x1b5: {  	v6 =	vmul.f32 v6, v7  }
0x1b6: {  	v39 =	vsub.f32 $1.500000000e+00, v39;
	v40 =	vsub.f32 $1.500000000e+00, v40  }
0x1b7: {  	v2 =	vmul.f32 v2, v3;
	v6 =	vadd.f32 $0.0e+00, v6  }
0x1b8: {  	v48 =	vmul.f32 v17, v39;
	v16 =	vmul.f32 v16, v40  }
0x1b9: {  	v4 =	vmul.f32 v9, v4;
	v2 =	vadd.f32 v2, v6  }
0x1ba: {  	v3 =	vmul.f32 v48, v37;
	v49 =	vmul.f32 v16, v38  }
0x1bb: {  	v2 =	vadd.f32 v4, v2;
	v51 =	vmul.f32 v11, v5  }
0x1bc: {  	v3 =	vmul.f32 v3, v48;
	v50 =	vmul.f32 v49, v16  }
0x1bd: {  	v2 =	vadd.f32 v51, v2;
	v53 =	vmul.f32 v15, v8  }
0x1be: {  	v3 =	vsub.f32 $1.500000000e+00, v3;
	v52 =	vsub.f32 $1.500000000e+00, v50  }
0x1bf: {  	v54 =	vmul.f32 v19, v10;
	v2 =	vadd.f32 v53, v2  }
0x1c0: {  	v3 =	vmul.f32 v3, v48;
	v5 =	vmul.f32 v52, v16  }
0x1c1: {  	v2 =	vadd.f32 v54, v2;
	v57 =	vmul.f32 v21, v12  }
0x1c2: {  	v55 =	vmul.f32 v3, v37;
	v56 =	vmul.f32 v5, v38  }
0x1c3: {  	v58 =	vmul.f32 v23, v18;
	v2 =	vadd.f32 v57, v2  }
0x1c4: {  	v6 =	vmul.f32 v55, v3;
	v7 =	vmul.f32 v56, v5  }
0x1c5: {  	v2 =	vadd.f32 v58, v2  }
0x1c6: {  	v59 =	vmul.f32 v25, v20;
	v6 =	vsub.f32 $1.500000000e+00, v6;
	v7 =	vsub.f32 $1.500000000e+00, v7  }
0x1c7: {  	v60 =	vmul.f32 v27, v22  }
0x1c8: {  	v2 =	vadd.f32 v59, v2;
	v3 =	vmul.f32 v6, v3;
	v5 =	vmul.f32 v7, v5  }
0x1c9: {  	v61 =	vmul.f32 v29, v24  }
0x1ca: {  	v2 =	vadd.f32 v60, v2;
	v3 =	vmul.f32 v3, v14;
	v5 =	vmul.f32 v5, v13  }
0x1cb: {  	v62 =	vmul.f32 v31, v26  }
0x1cc: {  	v2 =	vadd.f32 v61, v2;
	v3 =	vmax.f32 v3, $9.999999930e-09;
	v5 =	vmax.f32 v5, $9.999999930e-09  }
0x1cd: {  	v3 =	vmul.f32 v5, v3  }
0x1ce: {  	v63 =	vmul.f32 v33, v28;
	v2 =	vadd.f32 v62, v2  }
0x1cf: {  	(erf) = vrcp.f32 v3  }
0x1d0: {  	v2 =	vadd.f32 v63, v2;
	v3 =	vmul.f32 v34, v30;
	_ =	sdelay $0x1  }
0x1d1: {  	v2 =	vadd.f32 v3, v2;
	v3 =	vmul.f32 v35, v32;
	_ =	sdelay $0x1  }
0x1d2: {  	v2 =	vadd.f32 v3, v2  }
0x1d3: {  	v1 =	vmul.f32 v36, v1;
	_ =	sdelay $0x1  }
0x1d4: {  	v1 =	vadd.f32 v1, v2  }
0x1d5: {  	v2 =	vpop (erf)  }
0x1d6: {  	s7 =	sadd.s32 $0x10, s31;
	v1 =	vmul.f32 v2, v1  }
0x1d7: {  	v2 =	vld [tilespmem:s7+$0x0]  }
0x1d8: {  	s0 =	sadd.s32 $0x10, s0;
	v1 =	vmul.f32 $2.500000000e+00, v1  }
0x1d9: {  	v3 =	vld [tilespmem:s0+$0x0]  }
0x1da: {  	v1 =	vadd.f32 $2.750000000e+00, v1;
	_ =	sdelay $0x1  }
0x1db: {  	v1 =	vadd.f32 v1, v2;
	_ =	sdelay $0x1  }
0x1dc: {  	s30 =	sadd.s32 $0x1, s30;
	v1 =	vadd.f32 v1, v3  }
0x1dd: {  	s31 =	sadd.s32 $0x10, s3;
	p0 =	sne.s32 s30, s16  }
.Ltmp1:
0x1de: {  	[tilespmem:s31+$0x0] =	vst v1;
	(pc) =	sbr.rel @p0 .LBB2_1-.Ltmp1, $4  }
0x1df: {  	[hbm4b:s15+s2] =	stream.linear.scatter [tilespmem:s29], [sflag:$0x2], $0x200, $0x38;
	[tilespmem:$0x4A00] =	vst v63  }
0x1e0: {  	_ =	swait.ge [sflag:s17], $0x200  }
0x1e1: {  	[sflag:s17] =	ssyncset.done $0x0  }
0x1e2: {  	[sflag:s17] =	ssyncadd.s32 $0xFFFFFE00  }
0x1e3: {  	_ =	sfence.sel $0x180000  }
0x1e4: {  	[bflag:$0x0] =	sbarrier.arrive $0xFFFF  }
0x1e5: {  	_ =	strace $0x90000047  }
0x1e6: {  	s0 =	stileid.u32;
	[bflag:$0x2] =	sbarrier.arrive $0xFFFF  }
0x1e7: {  	p0 =	sne.s32 s0, $0x0;
	s0 =	rddreg [dreg:$0x4]  }
0x1e8: {  	s0 =	sadd.s32 @!p0 $0x100000, s0  }
0x1e9: {  	[sflag:s0] =	ssyncadd.tile.s32 @!p0 $0x1;
	_ =	shalt  }
.Lfunc_end2:
_tile_overlayer_lowered:
.L_overlay_start_2:
0x1ea: {  	(tag) =	ssettag $0x2  }
0x1eb: {  	s0 =	rddreg [dreg:$0x0];
	s2 =	stileid.u32  }
0x1ec: {  	s1 =	rddreg [dreg:$0x1];
	p0 =	sne.s32 s2, $0x0  }
0x1ed: {  	s3 =	rddreg [dreg:$0x2];
	[bflag:$0x3] =	sbarrier.arrive $0xFFFF;
	s2 =	simm.s32 @!p0 $0x1C02  }
0x1ee: {  	[timem:s3], [sflag:s2] =	dma.local @!p0 [hbm:s0], s1  }
0x1ef: {  	s0 =	simm.s32 @!p0 $0x2  }
0x1f0: {  	_ =	swait.ge @!p0 [sflag:s0], s1  }
0x1f1: {  	s1 =	ssub.s32 @!p0 $0x0, s1;
	[sflag:s0] =	ssyncset.done @!p0 $0x0  }
0x1f2: {  	[sflag:s0] =	ssyncadd.s32 @!p0 s1  }
0x1f3: {  	[bflag:$0x3] =	sbarrier.arrive $0xFFFF  }
0x1f4: {  	_ =	shalt  }

</sc_bundles>
